<compile_context>
chip_gen: v7x
topology: tpu7x:2x2x1
jax: 0.10.2.dev20260603
libtpu: 0.0.44.dev20260713+nightly
codegen_flags: <defaults>
</compile_context>

<pallas_src>
import functools

import jax
import jax.numpy as jnp
from jax import lax
from jax.experimental import pallas as pl
from jax.experimental.pallas import tpu as pltpu
from jax.experimental.pallas import tpu_sc as plsc

N = 10000
DH = 16
NC = 2
NS = 16
NW = NC * NS
CHUNK = 128
CH_PER_TILE = 81
E_PAD = NW * CH_PER_TILE * CHUNK
ACC_ROWS = 10112


DEG_W = 8


def _deg_body(dst3, zeros, ones_blk, out, dst_v, ones_v, acc, sem):
    c = lax.axis_index("c")
    s = lax.axis_index("s")
    wid = c * NS + s
    pltpu.sync_copy(dst3.at[wid], dst_v)
    pltpu.sync_copy(ones_blk, ones_v)
    rps = ACC_ROWS // NS
    pltpu.sync_copy(zeros.at[pl.ds(s * rps, rps)], acc.at[pl.ds(s * rps, rps)])
    plsc.subcore_barrier()

    def chunk(j, carry):
        pltpu.async_copy(ones_v, acc.at[dst_v.at[j]], sem, add=True)

        @pl.when(j >= DEG_W)
        def _():
            pltpu.make_async_copy(ones_v, acc.at[dst_v.at[j]], sem).wait()

        return carry

    lax.fori_loop(0, CH_PER_TILE, chunk, 0)

    def drain(j, carry):
        pltpu.make_async_copy(ones_v, acc.at[dst_v.at[j]], sem).wait()
        return carry

    lax.fori_loop(0, DEG_W, drain, 0)
    plsc.subcore_barrier()
    pltpu.sync_copy(acc.at[pl.ds(s * rps, rps)],
                    out.at[pl.ds(c * ACC_ROWS + s * rps, rps)])


RING = 3


def _agg_stream_loop(gtab, src_v, dst_v, rows_v, acc, gsems):
    for b in range(RING):
        pltpu.async_copy(gtab.at[src_v.at[b]], rows_v.at[b], gsems[b])

    def outer(t, carry):
        for b in range(RING):
            jj = RING * t + b
            pltpu.make_async_copy(gtab.at[src_v.at[b]], rows_v.at[b],
                                  gsems[b]).wait()
            pltpu.sync_copy(rows_v.at[b], acc.at[dst_v.at[jj]], add=True)
            nxt = jj + RING

            @pl.when(nxt < CH_PER_TILE)
            def _():
                pltpu.async_copy(gtab.at[src_v.at[nxt]], rows_v.at[b],
                                 gsems[b])
        return carry

    lax.fori_loop(0, CH_PER_TILE // RING, outer, 0)


def _agg1_body(h, degp, src3, dst3, zeros, out, d16_out,
               src_v, dst_v, rows_v, h_t, p0_t, p1_t, acc, gtab, g0, g1, g2):
    c = lax.axis_index("c")
    s = lax.axis_index("s")
    wid = c * NS + s
    rps = ACC_ROWS // NS
    base = s * rps
    pltpu.sync_copy(src3.at[wid], src_v)
    pltpu.sync_copy(dst3.at[wid], dst_v)
    pltpu.sync_copy(h.at[pl.ds(base, rps)], h_t)
    pltpu.sync_copy(degp.at[pl.ds(base, rps)], p0_t)
    pltpu.sync_copy(degp.at[pl.ds(ACC_ROWS + base, rps)], p1_t)
    pltpu.sync_copy(zeros.at[pl.ds(base, rps)], acc.at[pl.ds(base, rps)])

    def row(i, carry):
        a = p0_t[i] + p1_t[i]
        bits = lax.bitcast_convert_type(a, jnp.int32)
        seed = jnp.int32(0x5F3759DF) - lax.shift_right_logical(bits, 1)
        d = lax.bitcast_convert_type(seed, jnp.float32)
        half = -0.5 * a
        for _ in range(3):
            d = d * (1.5 + half * d * d)
        p0_t[i] = d
        h_t[i] = d * h_t[i]
        return carry

    lax.fori_loop(0, rps, row, 0)
    pltpu.sync_copy(h_t, gtab.at[pl.ds(base, rps)])
    pltpu.sync_copy(p0_t, d16_out.at[pl.ds(c * ACC_ROWS + base, rps)])
    plsc.subcore_barrier()
    _agg_stream_loop(gtab, src_v, dst_v, rows_v, acc, (g0, g1, g2))
    plsc.subcore_barrier()
    pltpu.sync_copy(acc.at[pl.ds(base, rps)],
                    out.at[pl.ds(c * ACC_ROWS + base, rps)])


def _agg2_body(accp, dinv16, b1, src3, dst3, zeros, out,
               src_v, dst_v, rows_v, p0_t, p1_t, d_t, g_t, b1_t,
               acc, gtab, g0, g1, g2):
    c = lax.axis_index("c")
    s = lax.axis_index("s")
    wid = c * NS + s
    rps = ACC_ROWS // NS
    base = s * rps
    pltpu.sync_copy(src3.at[wid], src_v)
    pltpu.sync_copy(dst3.at[wid], dst_v)
    pltpu.sync_copy(accp.at[pl.ds(base, rps)], p0_t)
    pltpu.sync_copy(accp.at[pl.ds(ACC_ROWS + base, rps)], p1_t)
    pltpu.sync_copy(dinv16.at[pl.ds(c * ACC_ROWS + base, rps)], d_t)
    pltpu.sync_copy(b1, b1_t)
    pltpu.sync_copy(zeros.at[pl.ds(base, rps)], acc.at[pl.ds(base, rps)])

    b1v = b1_t[0]

    def row(i, carry):
        a = p0_t[i] + p1_t[i]
        d = d_t[i]
        g_t[i] = d * jnp.maximum(d * a + b1v, 0.0)
        return carry

    lax.fori_loop(0, rps, row, 0)
    pltpu.sync_copy(g_t, gtab.at[pl.ds(base, rps)])
    plsc.subcore_barrier()
    _agg_stream_loop(gtab, src_v, dst_v, rows_v, acc, (g0, g1, g2))
    plsc.subcore_barrier()
    pltpu.sync_copy(acc.at[pl.ds(base, rps)],
                    out.at[pl.ds(c * ACC_ROWS + base, rps)])


_MESH = plsc.VectorSubcoreMesh(core_axis_name="c", subcore_axis_name="s")
_SC_PARAMS = pltpu.CompilerParams(use_tc_tiling_on_sc=False)

_deg_call = pl.kernel(
    _deg_body,
    out_type=jax.ShapeDtypeStruct((NC * ACC_ROWS, DH), jnp.float32),
    mesh=_MESH,
    compiler_params=_SC_PARAMS,
    scratch_types=[
        pltpu.VMEM((CH_PER_TILE, CHUNK), jnp.int32),
        pltpu.VMEM((CHUNK, DH), jnp.float32),
        pltpu.VMEM_SHARED((ACC_ROWS, DH), jnp.float32),
        pltpu.SemaphoreType.DMA,
    ],
)

_RPS = ACC_ROWS // NS

_agg1_call = pl.kernel(
    _agg1_body,
    out_type=[jax.ShapeDtypeStruct((NC * ACC_ROWS, DH), jnp.float32),
              jax.ShapeDtypeStruct((NC * ACC_ROWS, DH), jnp.float32)],
    mesh=_MESH,
    compiler_params=_SC_PARAMS,
    scratch_types=[
        pltpu.VMEM((CH_PER_TILE, CHUNK), jnp.int32),
        pltpu.VMEM((CH_PER_TILE, CHUNK), jnp.int32),
        pltpu.VMEM((RING, CHUNK, DH), jnp.float32),
        pltpu.VMEM((_RPS, DH), jnp.float32),
        pltpu.VMEM((_RPS, DH), jnp.float32),
        pltpu.VMEM((_RPS, DH), jnp.float32),
        pltpu.VMEM_SHARED((ACC_ROWS, DH), jnp.float32),
        pltpu.VMEM_SHARED((ACC_ROWS, DH), jnp.float32),
    ] + [pltpu.SemaphoreType.DMA] * RING,
)

_agg2_call = pl.kernel(
    _agg2_body,
    out_type=jax.ShapeDtypeStruct((NC * ACC_ROWS, DH), jnp.float32),
    mesh=_MESH,
    compiler_params=_SC_PARAMS,
    scratch_types=[
        pltpu.VMEM((CH_PER_TILE, CHUNK), jnp.int32),
        pltpu.VMEM((CH_PER_TILE, CHUNK), jnp.int32),
        pltpu.VMEM((RING, CHUNK, DH), jnp.float32),
        pltpu.VMEM((_RPS, DH), jnp.float32),
        pltpu.VMEM((_RPS, DH), jnp.float32),
        pltpu.VMEM((_RPS, DH), jnp.float32),
        pltpu.VMEM((_RPS, DH), jnp.float32),
        pltpu.VMEM((1, DH), jnp.float32),
        pltpu.VMEM_SHARED((ACC_ROWS, DH), jnp.float32),
        pltpu.VMEM_SHARED((ACC_ROWS, DH), jnp.float32),
    ] + [pltpu.SemaphoreType.DMA] * RING,
)


def _mm1_body(x_ref, w1_ref, h_ref):
    h_ref[0:N, :] = jnp.dot(x_ref[...], w1_ref[...],
                            preferred_element_type=jnp.float32)
    h_ref[N:ACC_ROWS, :] = jnp.zeros((ACC_ROWS - N, DH), jnp.float32)


def _tc3_body(accp_ref, degp_ref, w2_ref, b2_ref, out_ref):
    deg = degp_ref[0:N, 0:1] + degp_ref[ACC_ROWS:ACC_ROWS + N, 0:1]
    dinv = jnp.where(deg > 0, lax.rsqrt(deg), 0.0)
    a = (accp_ref[0:N, :] + accp_ref[ACC_ROWS:ACC_ROWS + N, :]) * dinv
    t = jnp.dot(a, w2_ref[...], preferred_element_type=jnp.float32) + b2_ref[...]
    m = jnp.max(t, axis=1, keepdims=True)
    out_ref[...] = (t - m) - jnp.log(
        jnp.sum(jnp.exp(t - m), axis=1, keepdims=True))


_mm1 = pl.pallas_call(
    _mm1_body,
    out_shape=jax.ShapeDtypeStruct((ACC_ROWS, DH), jnp.float32),
)

_tc3 = pl.pallas_call(
    _tc3_body,
    out_shape=jax.ShapeDtypeStruct((N, 2), jnp.float32),
)


def kernel(x, edge_index, W1, b1, W2, b2):
    e = edge_index.astype(jnp.int32)
    loops = jnp.arange(N, dtype=jnp.int32)
    src = jnp.concatenate([e[0], loops])
    dst = jnp.concatenate([e[1], loops])
    pad = E_PAD - src.shape[0]
    src = jnp.concatenate([src, jnp.zeros((pad,), jnp.int32)])
    dst = jnp.concatenate([dst, jnp.full((pad,), N, jnp.int32)])
    src3 = src.reshape(NW, CH_PER_TILE, CHUNK)
    dst3 = dst.reshape(NW, CH_PER_TILE, CHUNK)

    zeros = jnp.zeros((ACC_ROWS, DH), jnp.float32)
    ones_blk = jnp.ones((CHUNK, DH), jnp.float32)

    h = _mm1(x, W1)
    degp = _deg_call(dst3, zeros, ones_blk)
    acc1, d16 = _agg1_call(h, degp, src3, dst3, zeros)
    acc2 = _agg2_call(acc1, d16, b1.reshape(1, DH), src3, dst3, zeros)
    return _tc3(acc2, degp, W2, b2.reshape(1, 2))

# --- scband reference (transcript-rebuilt; emitter-appended) ---
"""Pipeline reference for scband-gnn-87952340287789 (READ-ONLY COPY).

The authoritative reference and input builder live on the scoring server;
editing this copy changes nothing except your own understanding.
"""

import jax, jax.numpy as jnp
import numpy as np

N_NODES = 10000
N_EDGES = 320000
D_IN = 128
D_HID = 16
D_OUT = 2


def setup_inputs(seed: int = 0) -> dict:
    key = jax.random.key(seed)
    k_x, k_e, k_w1, k_w2 = jax.random.split(key, 4)
    x = jax.random.normal(k_x, (N_NODES, D_IN), dtype=jnp.float32)
    edge_index = jax.random.randint(k_e, (2, N_EDGES), 0, N_NODES, dtype=jnp.int64)
    W1 = jax.random.normal(k_w1, (D_IN, D_HID), dtype=jnp.float32) * (1.0 / np.sqrt(D_IN))
    b1 = jnp.zeros((D_HID,), dtype=jnp.float32)
    W2 = jax.random.normal(k_w2, (D_HID, D_OUT), dtype=jnp.float32) * (1.0 / np.sqrt(D_HID))
    b2 = jnp.zeros((D_OUT,), dtype=jnp.float32)
    return {"x": x, "edge_index": edge_index, "W1": W1, "b1": b1, "W2": W2, "b2": b2}


def _gcn_layer(x, src, dst, W, b, n_nodes):
    # GCNConv: linear transform, then symmetric-normalized aggregation (self-loops already in src/dst)
    h = x @ W
    ones = jnp.ones_like(dst, dtype=h.dtype)
    deg = jax.ops.segment_sum(ones, dst, num_segments=n_nodes)
    dinv = jnp.where(deg > 0, 1.0 / jnp.sqrt(deg), 0.0)
    norm = dinv[src] * dinv[dst]
    msg = h[src] * norm[:, None]
    out = jax.ops.segment_sum(msg, dst, num_segments=n_nodes)
    return out + b


def reference(x, edge_index, W1, b1, W2, b2):
    n = x.shape[0]
    loops = jnp.arange(n, dtype=edge_index.dtype)
    src = jnp.concatenate([edge_index[0], loops])
    dst = jnp.concatenate([edge_index[1], loops])
    h = _gcn_layer(x, src, dst, W1, b1, n)
    h = jax.nn.relu(h)
    h = _gcn_layer(h, src, dst, W2, b2, n)
    return jax.nn.log_softmax(h, axis=1)

if __name__ == "__main__":
    import jax
    _d = setup_inputs()
    print(jax.jit(kernel)(*tuple(_d.values())))

</pallas_src>

<mosaic_0001>
#map = affine_map<(d0, d1) -> (0, 0)>
#map1 = affine_map<(d0, d1) -> (0, 0, 0)>
module attributes {stable_mosaic.version = 14 : i64} {
  func.func @_agg1_body(%arg0: i32, %arg1: i32, %arg2: memref<10112x16xf32, #tpu.memory_space<hbm>>, %arg3: memref<20224x16xf32, #tpu.memory_space<hbm>>, %arg4: memref<32x81x128xi32, #tpu.memory_space<hbm>>, %arg5: memref<32x81x128xi32, #tpu.memory_space<hbm>>, %arg6: memref<10112x16xf32, #tpu.memory_space<hbm>>, %arg7: memref<20224x16xf32, #tpu.memory_space<hbm>>, %arg8: memref<20224x16xf32, #tpu.memory_space<hbm>>, %arg9: memref<81x128xi32, #tpu.memory_space<vmem>>, %arg10: memref<81x128xi32, #tpu.memory_space<vmem>>, %arg11: memref<3x128x16xf32, #tpu.memory_space<vmem>>, %arg12: memref<632x16xf32, #tpu.memory_space<vmem>>, %arg13: memref<632x16xf32, #tpu.memory_space<vmem>>, %arg14: memref<632x16xf32, #tpu.memory_space<vmem>>, %arg15: memref<10112x16xf32, #tpu.memory_space<vmem_shared>>, %arg16: memref<10112x16xf32, #tpu.memory_space<vmem_shared>>, %arg17: memref<!tpu.dma_semaphore, #tpu.memory_space<semaphore_mem>>, %arg18: memref<!tpu.dma_semaphore, #tpu.memory_space<semaphore_mem>>, %arg19: memref<!tpu.dma_semaphore, #tpu.memory_space<semaphore_mem>>) attributes {dimension_semantics = [#tpu.dimension_semantics<core_parallel>, #tpu.dimension_semantics<subcore_parallel>], iteration_bounds = array<i64: 2, 16>, scalar_prefetch = 0 : i64, scratch_operands = 11 : i64, tpu.core_type = #tpu.core_type<sc_vector_subcore>, window_params = [{transform_indices = #map}, {transform_indices = #map}, {transform_indices = #map1}, {transform_indices = #map1}, {transform_indices = #map}, {transform_indices = #map}, {transform_indices = #map}]} {
    %mul3A = arith.constant 16 : i32
    %mul3A_0 = arith.muli %arg0, %mul3A : i32
    %add3A = arith.addi %mul3A_0, %arg1 : i32
    %mul3A_1 = arith.constant 632 : i32
    %mul3A_2 = arith.muli %arg1, %mul3A_1 : i32
    "tpu.region"() ({
      %run_scoped3A = tpu.sem_alloc : memref<!tpu.dma_semaphore, #tpu.memory_space<semaphore_mem>>
      %dma_start3A_58 = arith.constant 0 : i32
      %dma_start3A_59 = arith.constant 0 : i32
      %dma_start3A_60 = tpu.memref_slice %arg4[%add3A, %dma_start3A_58, %dma_start3A_59] : memref<32x81x128xi32, #tpu.memory_space<hbm>> -> memref<1x81x128xi32, #tpu.memory_space<hbm>>
      %dma_start3A_61 = tpu.memref_squeeze %dma_start3A_60 : memref<1x81x128xi32, #tpu.memory_space<hbm>> -> memref<81x128xi32, #tpu.memory_space<hbm>>
      %dma_start3A_62 = arith.constant 0 : i32
      %dma_start3A_63 = arith.constant 0 : i32
      %dma_start3A_64 = tpu.memref_slice %arg4[%add3A, %dma_start3A_62, %dma_start3A_63] : memref<32x81x128xi32, #tpu.memory_space<hbm>> -> memref<1x81x128xi32, #tpu.memory_space<hbm>>
      %dma_start3A_65 = tpu.memref_squeeze %dma_start3A_64 : memref<1x81x128xi32, #tpu.memory_space<hbm>> -> memref<81x128xi32, #tpu.memory_space<hbm>>
      tpu.enqueue_dma source(%dma_start3A_65 : memref<81x128xi32, #tpu.memory_space<hbm>>) target(%arg9 : memref<81x128xi32, #tpu.memory_space<vmem>>) target_semaphore(%run_scoped3A : memref<!tpu.dma_semaphore, #tpu.memory_space<semaphore_mem>>)
      %dma_wait3A = arith.constant 0 : i32
      %dma_wait3A_66 = arith.constant 0 : i32
      %dma_wait3A_67 = tpu.memref_slice %arg4[%add3A, %dma_wait3A, %dma_wait3A_66] : memref<32x81x128xi32, #tpu.memory_space<hbm>> -> memref<1x81x128xi32, #tpu.memory_space<hbm>>
      %dma_wait3A_68 = tpu.memref_squeeze %dma_wait3A_67 : memref<1x81x128xi32, #tpu.memory_space<hbm>> -> memref<81x128xi32, #tpu.memory_space<hbm>>
      %dma_wait3A_69 = arith.constant 0 : i32
      %dma_wait3A_70 = arith.constant 0 : i32
      %dma_wait3A_71 = tpu.memref_slice %arg4[%add3A, %dma_wait3A_69, %dma_wait3A_70] : memref<32x81x128xi32, #tpu.memory_space<hbm>> -> memref<1x81x128xi32, #tpu.memory_space<hbm>>
      %dma_wait3A_72 = tpu.memref_squeeze %dma_wait3A_71 : memref<1x81x128xi32, #tpu.memory_space<hbm>> -> memref<81x128xi32, #tpu.memory_space<hbm>>
      tpu.wait_dma2 semaphore(%run_scoped3A : memref<!tpu.dma_semaphore, #tpu.memory_space<semaphore_mem>>) src(%dma_wait3A_72 : memref<81x128xi32, #tpu.memory_space<hbm>>) dst(%arg9 : memref<81x128xi32, #tpu.memory_space<vmem>>)
      tpu.yield
    }) : () -> ()
    "tpu.region"() ({
      %run_scoped3A = tpu.sem_alloc : memref<!tpu.dma_semaphore, #tpu.memory_space<semaphore_mem>>
      %dma_start3A_58 = arith.constant 0 : i32
      %dma_start3A_59 = arith.constant 0 : i32
      %dma_start3A_60 = tpu.memref_slice %arg5[%add3A, %dma_start3A_58, %dma_start3A_59] : memref<32x81x128xi32, #tpu.memory_space<hbm>> -> memref<1x81x128xi32, #tpu.memory_space<hbm>>
      %dma_start3A_61 = tpu.memref_squeeze %dma_start3A_60 : memref<1x81x128xi32, #tpu.memory_space<hbm>> -> memref<81x128xi32, #tpu.memory_space<hbm>>
      %dma_start3A_62 = arith.constant 0 : i32
      %dma_start3A_63 = arith.constant 0 : i32
      %dma_start3A_64 = tpu.memref_slice %arg5[%add3A, %dma_start3A_62, %dma_start3A_63] : memref<32x81x128xi32, #tpu.memory_space<hbm>> -> memref<1x81x128xi32, #tpu.memory_space<hbm>>
      %dma_start3A_65 = tpu.memref_squeeze %dma_start3A_64 : memref<1x81x128xi32, #tpu.memory_space<hbm>> -> memref<81x128xi32, #tpu.memory_space<hbm>>
      tpu.enqueue_dma source(%dma_start3A_65 : memref<81x128xi32, #tpu.memory_space<hbm>>) target(%arg10 : memref<81x128xi32, #tpu.memory_space<vmem>>) target_semaphore(%run_scoped3A : memref<!tpu.dma_semaphore, #tpu.memory_space<semaphore_mem>>)
      %dma_wait3A = arith.constant 0 : i32
      %dma_wait3A_66 = arith.constant 0 : i32
      %dma_wait3A_67 = tpu.memref_slice %arg5[%add3A, %dma_wait3A, %dma_wait3A_66] : memref<32x81x128xi32, #tpu.memory_space<hbm>> -> memref<1x81x128xi32, #tpu.memory_space<hbm>>
      %dma_wait3A_68 = tpu.memref_squeeze %dma_wait3A_67 : memref<1x81x128xi32, #tpu.memory_space<hbm>> -> memref<81x128xi32, #tpu.memory_space<hbm>>
      %dma_wait3A_69 = arith.constant 0 : i32
      %dma_wait3A_70 = arith.constant 0 : i32
      %dma_wait3A_71 = tpu.memref_slice %arg5[%add3A, %dma_wait3A_69, %dma_wait3A_70] : memref<32x81x128xi32, #tpu.memory_space<hbm>> -> memref<1x81x128xi32, #tpu.memory_space<hbm>>
      %dma_wait3A_72 = tpu.memref_squeeze %dma_wait3A_71 : memref<1x81x128xi32, #tpu.memory_space<hbm>> -> memref<81x128xi32, #tpu.memory_space<hbm>>
      tpu.wait_dma2 semaphore(%run_scoped3A : memref<!tpu.dma_semaphore, #tpu.memory_space<semaphore_mem>>) src(%dma_wait3A_72 : memref<81x128xi32, #tpu.memory_space<hbm>>) dst(%arg10 : memref<81x128xi32, #tpu.memory_space<vmem>>)
      tpu.yield
    }) : () -> ()
    "tpu.region"() ({
      %run_scoped3A = tpu.sem_alloc : memref<!tpu.dma_semaphore, #tpu.memory_space<semaphore_mem>>
      %dma_start3A_58 = arith.constant 0 : i32
      %dma_start3A_59 = tpu.memref_slice %arg2[%mul3A_2, %dma_start3A_58] : memref<10112x16xf32, #tpu.memory_space<hbm>> -> memref<632x16xf32, #tpu.memory_space<hbm>>
      %dma_start3A_60 = arith.constant 0 : i32
      %dma_start3A_61 = tpu.memref_slice %arg2[%mul3A_2, %dma_start3A_60] : memref<10112x16xf32, #tpu.memory_space<hbm>> -> memref<632x16xf32, #tpu.memory_space<hbm>>
      tpu.enqueue_dma source(%dma_start3A_61 : memref<632x16xf32, #tpu.memory_space<hbm>>) target(%arg12 : memref<632x16xf32, #tpu.memory_space<vmem>>) target_semaphore(%run_scoped3A : memref<!tpu.dma_semaphore, #tpu.memory_space<semaphore_mem>>)
      %dma_wait3A = arith.constant 0 : i32
      %dma_wait3A_62 = tpu.memref_slice %arg2[%mul3A_2, %dma_wait3A] : memref<10112x16xf32, #tpu.memory_space<hbm>> -> memref<632x16xf32, #tpu.memory_space<hbm>>
      %dma_wait3A_63 = arith.constant 0 : i32
      %dma_wait3A_64 = tpu.memref_slice %arg2[%mul3A_2, %dma_wait3A_63] : memref<10112x16xf32, #tpu.memory_space<hbm>> -> memref<632x16xf32, #tpu.memory_space<hbm>>
      tpu.wait_dma2 semaphore(%run_scoped3A : memref<!tpu.dma_semaphore, #tpu.memory_space<semaphore_mem>>) src(%dma_wait3A_64 : memref<632x16xf32, #tpu.memory_space<hbm>>) dst(%arg12 : memref<632x16xf32, #tpu.memory_space<vmem>>)
      tpu.yield
    }) : () -> ()
    "tpu.region"() ({
      %run_scoped3A = tpu.sem_alloc : memref<!tpu.dma_semaphore, #tpu.memory_space<semaphore_mem>>
      %dma_start3A_58 = arith.constant 0 : i32
      %dma_start3A_59 = tpu.memref_slice %arg3[%mul3A_2, %dma_start3A_58] : memref<20224x16xf32, #tpu.memory_space<hbm>> -> memref<632x16xf32, #tpu.memory_space<hbm>>
      %dma_start3A_60 = arith.constant 0 : i32
      %dma_start3A_61 = tpu.memref_slice %arg3[%mul3A_2, %dma_start3A_60] : memref<20224x16xf32, #tpu.memory_space<hbm>> -> memref<632x16xf32, #tpu.memory_space<hbm>>
      tpu.enqueue_dma source(%dma_start3A_61 : memref<632x16xf32, #tpu.memory_space<hbm>>) target(%arg13 : memref<632x16xf32, #tpu.memory_space<vmem>>) target_semaphore(%run_scoped3A : memref<!tpu.dma_semaphore, #tpu.memory_space<semaphore_mem>>)
      %dma_wait3A = arith.constant 0 : i32
      %dma_wait3A_62 = tpu.memref_slice %arg3[%mul3A_2, %dma_wait3A] : memref<20224x16xf32, #tpu.memory_space<hbm>> -> memref<632x16xf32, #tpu.memory_space<hbm>>
      %dma_wait3A_63 = arith.constant 0 : i32
      %dma_wait3A_64 = tpu.memref_slice %arg3[%mul3A_2, %dma_wait3A_63] : memref<20224x16xf32, #tpu.memory_space<hbm>> -> memref<632x16xf32, #tpu.memory_space<hbm>>
      tpu.wait_dma2 semaphore(%run_scoped3A : memref<!tpu.dma_semaphore, #tpu.memory_space<semaphore_mem>>) src(%dma_wait3A_64 : memref<632x16xf32, #tpu.memory_space<hbm>>) dst(%arg13 : memref<632x16xf32, #tpu.memory_space<vmem>>)
      tpu.yield
    }) : () -> ()
    %add3A_3 = arith.constant 10112 : i32
    %add3A_4 = arith.addi %add3A_3, %mul3A_2 : i32
    "tpu.region"() ({
      %run_scoped3A = tpu.sem_alloc : memref<!tpu.dma_semaphore, #tpu.memory_space<semaphore_mem>>
      %dma_start3A_58 = arith.constant 0 : i32
      %dma_start3A_59 = tpu.memref_slice %arg3[%add3A_4, %dma_start3A_58] : memref<20224x16xf32, #tpu.memory_space<hbm>> -> memref<632x16xf32, #tpu.memory_space<hbm>>
      %dma_start3A_60 = arith.constant 0 : i32
      %dma_start3A_61 = tpu.memref_slice %arg3[%add3A_4, %dma_start3A_60] : memref<20224x16xf32, #tpu.memory_space<hbm>> -> memref<632x16xf32, #tpu.memory_space<hbm>>
      tpu.enqueue_dma source(%dma_start3A_61 : memref<632x16xf32, #tpu.memory_space<hbm>>) target(%arg14 : memref<632x16xf32, #tpu.memory_space<vmem>>) target_semaphore(%run_scoped3A : memref<!tpu.dma_semaphore, #tpu.memory_space<semaphore_mem>>)
      %dma_wait3A = arith.constant 0 : i32
      %dma_wait3A_62 = tpu.memref_slice %arg3[%add3A_4, %dma_wait3A] : memref<20224x16xf32, #tpu.memory_space<hbm>> -> memref<632x16xf32, #tpu.memory_space<hbm>>
      %dma_wait3A_63 = arith.constant 0 : i32
      %dma_wait3A_64 = tpu.memref_slice %arg3[%add3A_4, %dma_wait3A_63] : memref<20224x16xf32, #tpu.memory_space<hbm>> -> memref<632x16xf32, #tpu.memory_space<hbm>>
      tpu.wait_dma2 semaphore(%run_scoped3A : memref<!tpu.dma_semaphore, #tpu.memory_space<semaphore_mem>>) src(%dma_wait3A_64 : memref<632x16xf32, #tpu.memory_space<hbm>>) dst(%arg14 : memref<632x16xf32, #tpu.memory_space<vmem>>)
      tpu.yield
    }) : () -> ()
    "tpu.region"() ({
      %run_scoped3A = tpu.sem_alloc : memref<!tpu.dma_semaphore, #tpu.memory_space<semaphore_mem>>
      %dma_start3A_58 = arith.constant 0 : i32
      %dma_start3A_59 = tpu.memref_slice %arg15[%mul3A_2, %dma_start3A_58] : memref<10112x16xf32, #tpu.memory_space<vmem_shared>> -> memref<632x16xf32, #tpu.memory_space<vmem_shared>>
      %dma_start3A_60 = arith.constant 0 : i32
      %dma_start3A_61 = tpu.memref_slice %arg6[%mul3A_2, %dma_start3A_60] : memref<10112x16xf32, #tpu.memory_space<hbm>> -> memref<632x16xf32, #tpu.memory_space<hbm>>
      tpu.enqueue_dma source(%dma_start3A_61 : memref<632x16xf32, #tpu.memory_space<hbm>>) target(%dma_start3A_59 : memref<632x16xf32, #tpu.memory_space<vmem_shared>>) target_semaphore(%run_scoped3A : memref<!tpu.dma_semaphore, #tpu.memory_space<semaphore_mem>>)
      %dma_wait3A = arith.constant 0 : i32
      %dma_wait3A_62 = tpu.memref_slice %arg15[%mul3A_2, %dma_wait3A] : memref<10112x16xf32, #tpu.memory_space<vmem_shared>> -> memref<632x16xf32, #tpu.memory_space<vmem_shared>>
      %dma_wait3A_63 = arith.constant 0 : i32
      %dma_wait3A_64 = tpu.memref_slice %arg6[%mul3A_2, %dma_wait3A_63] : memref<10112x16xf32, #tpu.memory_space<hbm>> -> memref<632x16xf32, #tpu.memory_space<hbm>>
      tpu.wait_dma2 semaphore(%run_scoped3A : memref<!tpu.dma_semaphore, #tpu.memory_space<semaphore_mem>>) src(%dma_wait3A_64 : memref<632x16xf32, #tpu.memory_space<hbm>>) dst(%dma_wait3A_62 : memref<632x16xf32, #tpu.memory_space<vmem_shared>>)
      tpu.yield
    }) : () -> ()
    %scan3A = arith.constant 0 : i32
    %scan3A_5 = arith.constant 0 : i32
    %scan3A_6 = arith.constant 632 : i32
    %scan3A_7 = arith.addi %scan3A_5, %scan3A_6 : i32
    %scan3A_8 = arith.constant 1 : i32
    scf.for %scan3A_58 = %scan3A_5 to %scan3A_7 step %scan3A_8  : i32 {
      %get3A = arith.index_cast %scan3A_58 : i32 to index
      %get3A_59 = arith.constant 0 : index
      %get3A_60 = tpu.vector_load %arg13[%get3A, %get3A_59] {strides = array<i32>} : memref<632x16xf32, #tpu.memory_space<vmem>>, vector<1x16xf32>,
      %get3A_61 = vector.shape_cast %get3A_60 : vector<1x16xf32> to vector<16xf32>
      %get3A_62 = arith.index_cast %scan3A_58 : i32 to index
      %get3A_63 = arith.constant 0 : index
      %get3A_64 = tpu.vector_load %arg14[%get3A_62, %get3A_63] {strides = array<i32>} : memref<632x16xf32, #tpu.memory_space<vmem>>, vector<1x16xf32>,
      %get3A_65 = vector.shape_cast %get3A_64 : vector<1x16xf32> to vector<16xf32>
      %add3A_66 = arith.addf %get3A_61, %get3A_65 : vector<16xf32>
      %bitcast_convert_type3A = tpu.bitcast %add3A_66 : vector<16xf32> -> vector<16xi32>
      %shift_right_logical3A = arith.constant 1 : i32
      %shift_right_logical3A_67 = vector.broadcast %shift_right_logical3A : i32 to vector<16xi32>
      %shift_right_logical3A_68 = arith.shrui %bitcast_convert_type3A, %shift_right_logical3A_67 : vector<16xi32>
      %sub3A = arith.constant 1597463007 : i32
      %sub3A_69 = vector.broadcast %sub3A : i32 to vector<16xi32>
      %sub3A_70 = arith.subi %sub3A_69, %shift_right_logical3A_68 : vector<16xi32>
      %bitcast_convert_type3A_71 = tpu.bitcast %sub3A_70 : vector<16xi32> -> vector<16xf32>
      %mul3A_72 = arith.constant -5.000000e-01 : f32
      %mul3A_73 = vector.broadcast %mul3A_72 : f32 to vector<16xf32>
      %mul3A_74 = arith.mulf %mul3A_73, %add3A_66 : vector<16xf32>
      %mul3A_75 = arith.mulf %mul3A_74, %bitcast_convert_type3A_71 : vector<16xf32>
      %mul3A_76 = arith.mulf %mul3A_75, %bitcast_convert_type3A_71 : vector<16xf32>
      %add3A_77 = arith.constant 1.500000e+00 : f32
      %add3A_78 = vector.broadcast %add3A_77 : f32 to vector<16xf32>
      %add3A_79 = arith.addf %add3A_78, %mul3A_76 : vector<16xf32>
      %mul3A_80 = arith.mulf %bitcast_convert_type3A_71, %add3A_79 : vector<16xf32>
      %mul3A_81 = arith.mulf %mul3A_74, %mul3A_80 : vector<16xf32>
      %mul3A_82 = arith.mulf %mul3A_81, %mul3A_80 : vector<16xf32>
      %add3A_83 = arith.constant 1.500000e+00 : f32
      %add3A_84 = vector.broadcast %add3A_83 : f32 to vector<16xf32>
      %add3A_85 = arith.addf %add3A_84, %mul3A_82 : vector<16xf32>
      %mul3A_86 = arith.mulf %mul3A_80, %add3A_85 : vector<16xf32>
      %mul3A_87 = arith.mulf %mul3A_74, %mul3A_86 : vector<16xf32>
      %mul3A_88 = arith.mulf %mul3A_87, %mul3A_86 : vector<16xf32>
      %add3A_89 = arith.constant 1.500000e+00 : f32
      %add3A_90 = vector.broadcast %add3A_89 : f32 to vector<16xf32>
      %add3A_91 = arith.addf %add3A_90, %mul3A_88 : vector<16xf32>
      %mul3A_92 = arith.mulf %mul3A_86, %add3A_91 : vector<16xf32>
      %swap3A = arith.index_cast %scan3A_58 : i32 to index
      %swap3A_93 = arith.constant 0 : index
      %swap3A_94 = tpu.vector_load %arg13[%swap3A, %swap3A_93] {strides = array<i32>} : memref<632x16xf32, #tpu.memory_space<vmem>>, vector<1x16xf32>,
      %swap3A_95 = vector.shape_cast %swap3A_94 : vector<1x16xf32> to vector<16xf32>
      %swap3A_96 = vector.shape_cast %mul3A_92 : vector<16xf32> to vector<1x16xf32>
      tpu.vector_store %arg13[%swap3A, %swap3A_93], %swap3A_96 {strides = array<i32>} : memref<632x16xf32, #tpu.memory_space<vmem>>, vector<1x16xf32>,
      %get3A_97 = arith.index_cast %scan3A_58 : i32 to index
      %get3A_98 = arith.constant 0 : index
      %get3A_99 = tpu.vector_load %arg12[%get3A_97, %get3A_98] {strides = array<i32>} : memref<632x16xf32, #tpu.memory_space<vmem>>, vector<1x16xf32>,
      %get3A_100 = vector.shape_cast %get3A_99 : vector<1x16xf32> to vector<16xf32>
      %mul3A_101 = arith.mulf %mul3A_92, %get3A_100 : vector<16xf32>
      %swap3A_102 = arith.index_cast %scan3A_58 : i32 to index
      %swap3A_103 = arith.constant 0 : index
      %swap3A_104 = tpu.vector_load %arg12[%swap3A_102, %swap3A_103] {strides = array<i32>} : memref<632x16xf32, #tpu.memory_space<vmem>>, vector<1x16xf32>,
      %swap3A_105 = vector.shape_cast %swap3A_104 : vector<1x16xf32> to vector<16xf32>
      %swap3A_106 = vector.shape_cast %mul3A_101 : vector<16xf32> to vector<1x16xf32>
      tpu.vector_store %arg12[%swap3A_102, %swap3A_103], %swap3A_106 {strides = array<i32>} : memref<632x16xf32, #tpu.memory_space<vmem>>, vector<1x16xf32>,
    }
    %scan3A_9 = arith.constant 632 : i32
    "tpu.region"() ({
      %run_scoped3A = tpu.sem_alloc : memref<!tpu.dma_semaphore, #tpu.memory_space<semaphore_mem>>
      %dma_start3A_58 = arith.constant 0 : i32
      %dma_start3A_59 = tpu.memref_slice %arg16[%mul3A_2, %dma_start3A_58] : memref<10112x16xf32, #tpu.memory_space<vmem_shared>> -> memref<632x16xf32, #tpu.memory_space<vmem_shared>>
      %dma_start3A_60 = arith.constant 0 : i32
      %dma_start3A_61 = tpu.memref_slice %arg16[%mul3A_2, %dma_start3A_60] : memref<10112x16xf32, #tpu.memory_space<vmem_shared>> -> memref<632x16xf32, #tpu.memory_space<vmem_shared>>
      tpu.enqueue_dma source(%arg12 : memref<632x16xf32, #tpu.memory_space<vmem>>) target(%dma_start3A_61 : memref<632x16xf32, #tpu.memory_space<vmem_shared>>) target_semaphore(%run_scoped3A : memref<!tpu.dma_semaphore, #tpu.memory_space<semaphore_mem>>)
      %dma_wait3A = arith.constant 0 : i32
      %dma_wait3A_62 = tpu.memref_slice %arg16[%mul3A_2, %dma_wait3A] : memref<10112x16xf32, #tpu.memory_space<vmem_shared>> -> memref<632x16xf32, #tpu.memory_space<vmem_shared>>
      %dma_wait3A_63 = arith.constant 0 : i32
      %dma_wait3A_64 = tpu.memref_slice %arg16[%mul3A_2, %dma_wait3A_63] : memref<10112x16xf32, #tpu.memory_space<vmem_shared>> -> memref<632x16xf32, #tpu.memory_space<vmem_shared>>
      tpu.wait_dma2 semaphore(%run_scoped3A : memref<!tpu.dma_semaphore, #tpu.memory_space<semaphore_mem>>) src(%arg12 : memref<632x16xf32, #tpu.memory_space<vmem>>) dst(%dma_wait3A_64 : memref<632x16xf32, #tpu.memory_space<vmem_shared>>)
      tpu.yield
    }) : () -> ()
    %mul3A_10 = arith.constant 10112 : i32
    %mul3A_11 = arith.muli %arg0, %mul3A_10 : i32
    %add3A_12 = arith.addi %mul3A_11, %mul3A_2 : i32
    "tpu.region"() ({
      %run_scoped3A = tpu.sem_alloc : memref<!tpu.dma_semaphore, #tpu.memory_space<semaphore_mem>>
      %dma_start3A_58 = arith.constant 0 : i32
      %dma_start3A_59 = tpu.memref_slice %arg8[%add3A_12, %dma_start3A_58] : memref<20224x16xf32, #tpu.memory_space<hbm>> -> memref<632x16xf32, #tpu.memory_space<hbm>>
      %dma_start3A_60 = arith.constant 0 : i32
      %dma_start3A_61 = tpu.memref_slice %arg8[%add3A_12, %dma_start3A_60] : memref<20224x16xf32, #tpu.memory_space<hbm>> -> memref<632x16xf32, #tpu.memory_space<hbm>>
      tpu.enqueue_dma source(%arg13 : memref<632x16xf32, #tpu.memory_space<vmem>>) target(%dma_start3A_61 : memref<632x16xf32, #tpu.memory_space<hbm>>) target_semaphore(%run_scoped3A : memref<!tpu.dma_semaphore, #tpu.memory_space<semaphore_mem>>)
      %dma_wait3A = arith.constant 0 : i32
      %dma_wait3A_62 = tpu.memref_slice %arg8[%add3A_12, %dma_wait3A] : memref<20224x16xf32, #tpu.memory_space<hbm>> -> memref<632x16xf32, #tpu.memory_space<hbm>>
      %dma_wait3A_63 = arith.constant 0 : i32
      %dma_wait3A_64 = tpu.memref_slice %arg8[%add3A_12, %dma_wait3A_63] : memref<20224x16xf32, #tpu.memory_space<hbm>> -> memref<632x16xf32, #tpu.memory_space<hbm>>
      tpu.wait_dma2 semaphore(%run_scoped3A : memref<!tpu.dma_semaphore, #tpu.memory_space<semaphore_mem>>) src(%arg13 : memref<632x16xf32, #tpu.memory_space<vmem>>) dst(%dma_wait3A_64 : memref<632x16xf32, #tpu.memory_space<hbm>>)
      tpu.yield
    }) : () -> ()
    %barrier3A = arith.constant 0 : index
    tpu.barrier barrier_id(%barrier3A)
    %dma_start3A = arith.constant 0 : i32
    %dma_start3A_13 = arith.constant 0 : i32
    %dma_start3A_14 = arith.constant 0 : i32
    %dma_start3A_15 = arith.constant 0 : i32
    %dma_start3A_16 = tpu.memref_slice %arg11[%dma_start3A_13, %dma_start3A_14, %dma_start3A_15] : memref<3x128x16xf32, #tpu.memory_space<vmem>> -> memref<1x128x16xf32, #tpu.memory_space<vmem>>
    %dma_start3A_17 = tpu.memref_squeeze %dma_start3A_16 : memref<1x128x16xf32, #tpu.memory_space<vmem>> -> memref<128x16xf32, #tpu.memory_space<vmem>>
    %dma_start3A_18 = arith.constant 0 : i32
    %dma_start3A_19 = tpu.memref_slice %arg9[%dma_start3A, %dma_start3A_18] : memref<81x128xi32, #tpu.memory_space<vmem>> -> memref<1x128xi32, #tpu.memory_space<vmem>>
    %dma_start3A_20 = tpu.memref_squeeze %dma_start3A_19 : memref<1x128xi32, #tpu.memory_space<vmem>> -> memref<128xi32, #tpu.memory_space<vmem>>
    %dma_start3A_21 = arith.constant 0 : i32
    %dma_start3A_22 = arith.constant 0 : i32
    %dma_start3A_23 = tpu.memref_slice %arg16[%dma_start3A_21, %dma_start3A_22] : memref<10112x16xf32, #tpu.memory_space<vmem_shared>> -> memref<10112x16xf32, #tpu.memory_space<vmem_shared>>
    tpu.enqueue_indirect_dma source(%dma_start3A_23 : memref<10112x16xf32, #tpu.memory_space<vmem_shared>>) target(%dma_start3A_17 : memref<128x16xf32, #tpu.memory_space<vmem>>) offsets(%dma_start3A_20 : memref<128xi32, #tpu.memory_space<vmem>>) semaphore(%arg17 : memref<!tpu.dma_semaphore, #tpu.memory_space<semaphore_mem>>)
    %dma_start3A_24 = arith.constant 1 : i32
    %dma_start3A_25 = arith.constant 1 : i32
    %dma_start3A_26 = arith.constant 0 : i32
    %dma_start3A_27 = arith.constant 0 : i32
    %dma_start3A_28 = tpu.memref_slice %arg11[%dma_start3A_25, %dma_start3A_26, %dma_start3A_27] : memref<3x128x16xf32, #tpu.memory_space<vmem>> -> memref<1x128x16xf32, #tpu.memory_space<vmem>>
    %dma_start3A_29 = tpu.memref_squeeze %dma_start3A_28 : memref<1x128x16xf32, #tpu.memory_space<vmem>> -> memref<128x16xf32, #tpu.memory_space<vmem>>
    %dma_start3A_30 = arith.constant 0 : i32
    %dma_start3A_31 = tpu.memref_slice %arg9[%dma_start3A_24, %dma_start3A_30] : memref<81x128xi32, #tpu.memory_space<vmem>> -> memref<1x128xi32, #tpu.memory_space<vmem>>
    %dma_start3A_32 = tpu.memref_squeeze %dma_start3A_31 : memref<1x128xi32, #tpu.memory_space<vmem>> -> memref<128xi32, #tpu.memory_space<vmem>>
    %dma_start3A_33 = arith.constant 0 : i32
    %dma_start3A_34 = arith.constant 0 : i32
    %dma_start3A_35 = tpu.memref_slice %arg16[%dma_start3A_33, %dma_start3A_34] : memref<10112x16xf32, #tpu.memory_space<vmem_shared>> -> memref<10112x16xf32, #tpu.memory_space<vmem_shared>>
    tpu.enqueue_indirect_dma source(%dma_start3A_35 : memref<10112x16xf32, #tpu.memory_space<vmem_shared>>) target(%dma_start3A_29 : memref<128x16xf32, #tpu.memory_space<vmem>>) offsets(%dma_start3A_32 : memref<128xi32, #tpu.memory_space<vmem>>) semaphore(%arg18 : memref<!tpu.dma_semaphore, #tpu.memory_space<semaphore_mem>>)
    %dma_start3A_36 = arith.constant 2 : i32
    %dma_start3A_37 = arith.constant 2 : i32
    %dma_start3A_38 = arith.constant 0 : i32
    %dma_start3A_39 = arith.constant 0 : i32
    %dma_start3A_40 = tpu.memref_slice %arg11[%dma_start3A_37, %dma_start3A_38, %dma_start3A_39] : memref<3x128x16xf32, #tpu.memory_space<vmem>> -> memref<1x128x16xf32, #tpu.memory_space<vmem>>
    %dma_start3A_41 = tpu.memref_squeeze %dma_start3A_40 : memref<1x128x16xf32, #tpu.memory_space<vmem>> -> memref<128x16xf32, #tpu.memory_space<vmem>>
    %dma_start3A_42 = arith.constant 0 : i32
    %dma_start3A_43 = tpu.memref_slice %arg9[%dma_start3A_36, %dma_start3A_42] : memref<81x128xi32, #tpu.memory_space<vmem>> -> memref<1x128xi32, #tpu.memory_space<vmem>>
    %dma_start3A_44 = tpu.memref_squeeze %dma_start3A_43 : memref<1x128xi32, #tpu.memory_space<vmem>> -> memref<128xi32, #tpu.memory_space<vmem>>
    %dma_start3A_45 = arith.constant 0 : i32
    %dma_start3A_46 = arith.constant 0 : i32
    %dma_start3A_47 = tpu.memref_slice %arg16[%dma_start3A_45, %dma_start3A_46] : memref<10112x16xf32, #tpu.memory_space<vmem_shared>> -> memref<10112x16xf32, #tpu.memory_space<vmem_shared>>
    tpu.enqueue_indirect_dma source(%dma_start3A_47 : memref<10112x16xf32, #tpu.memory_space<vmem_shared>>) target(%dma_start3A_41 : memref<128x16xf32, #tpu.memory_space<vmem>>) offsets(%dma_start3A_44 : memref<128xi32, #tpu.memory_space<vmem>>) semaphore(%arg19 : memref<!tpu.dma_semaphore, #tpu.memory_space<semaphore_mem>>)
    %scan3A_48 = arith.constant 0 : i32
    %scan3A_49 = arith.constant 0 : i32
    %scan3A_50 = arith.constant 27 : i32
    %scan3A_51 = arith.addi %scan3A_49, %scan3A_50 : i32
    %scan3A_52 = arith.constant 1 : i32
    scf.for %scan3A_58 = %scan3A_49 to %scan3A_51 step %scan3A_52  : i32 {
      %mul3A_59 = arith.constant 3 : i32
      %mul3A_60 = arith.muli %mul3A_59, %scan3A_58 : i32
      %add3A_61 = arith.constant 0 : i32
      %add3A_62 = arith.addi %mul3A_60, %add3A_61 : i32
      %dma_wait3A = arith.constant 0 : i32
      %dma_wait3A_63 = arith.constant 0 : i32
      %dma_wait3A_64 = arith.constant 0 : i32
      %dma_wait3A_65 = arith.constant 0 : i32
      %dma_wait3A_66 = tpu.memref_slice %arg11[%dma_wait3A_63, %dma_wait3A_64, %dma_wait3A_65] : memref<3x128x16xf32, #tpu.memory_space<vmem>> -> memref<1x128x16xf32, #tpu.memory_space<vmem>>
      %dma_wait3A_67 = tpu.memref_squeeze %dma_wait3A_66 : memref<1x128x16xf32, #tpu.memory_space<vmem>> -> memref<128x16xf32, #tpu.memory_space<vmem>>
      %dma_wait3A_68 = arith.constant 0 : i32
      %dma_wait3A_69 = tpu.memref_slice %arg9[%dma_wait3A, %dma_wait3A_68] : memref<81x128xi32, #tpu.memory_space<vmem>> -> memref<1x128xi32, #tpu.memory_space<vmem>>
      %dma_wait3A_70 = tpu.memref_squeeze %dma_wait3A_69 : memref<1x128xi32, #tpu.memory_space<vmem>> -> memref<128xi32, #tpu.memory_space<vmem>>
      %dma_wait3A_71 = arith.constant 0 : i32
      %dma_wait3A_72 = arith.constant 0 : i32
      %dma_wait3A_73 = tpu.memref_slice %arg16[%dma_wait3A_71, %dma_wait3A_72] : memref<10112x16xf32, #tpu.memory_space<vmem_shared>> -> memref<10112x16xf32, #tpu.memory_space<vmem_shared>>
      tpu.wait_indirect_dma semaphore(%arg17 : memref<!tpu.dma_semaphore, #tpu.memory_space<semaphore_mem>>) src(%dma_wait3A_73 : memref<10112x16xf32, #tpu.memory_space<vmem_shared>>) dst(%dma_wait3A_67 : memref<128x16xf32, #tpu.memory_space<vmem>>)
      %run_scoped3A = arith.constant 0 : i32
      "tpu.region"() ({
        %run_scoped3A_126 = tpu.sem_alloc : memref<!tpu.dma_semaphore, #tpu.memory_space<semaphore_mem>>
        %dma_start3A_127 = arith.constant 0 : i32
        %dma_start3A_128 = arith.constant 0 : i32
        %dma_start3A_129 = tpu.memref_slice %arg11[%run_scoped3A, %dma_start3A_127, %dma_start3A_128] : memref<3x128x16xf32, #tpu.memory_space<vmem>> -> memref<1x128x16xf32, #tpu.memory_space<vmem>>
        %dma_start3A_130 = tpu.memref_squeeze %dma_start3A_129 : memref<1x128x16xf32, #tpu.memory_space<vmem>> -> memref<128x16xf32, #tpu.memory_space<vmem>>
        %dma_start3A_131 = arith.constant 0 : i32
        %dma_start3A_132 = tpu.memref_slice %arg10[%add3A_62, %dma_start3A_131] : memref<81x128xi32, #tpu.memory_space<vmem>> -> memref<1x128xi32, #tpu.memory_space<vmem>>
        %dma_start3A_133 = tpu.memref_squeeze %dma_start3A_132 : memref<1x128xi32, #tpu.memory_space<vmem>> -> memref<128xi32, #tpu.memory_space<vmem>>
        %dma_start3A_134 = arith.constant 0 : i32
        %dma_start3A_135 = arith.constant 0 : i32
        %dma_start3A_136 = tpu.memref_slice %arg15[%dma_start3A_134, %dma_start3A_135] : memref<10112x16xf32, #tpu.memory_space<vmem_shared>> -> memref<10112x16xf32, #tpu.memory_space<vmem_shared>>
        tpu.enqueue_indirect_dma source(%dma_start3A_130 : memref<128x16xf32, #tpu.memory_space<vmem>>) target(%dma_start3A_136 : memref<10112x16xf32, #tpu.memory_space<vmem_shared>>) offsets(%dma_start3A_133 : memref<128xi32, #tpu.memory_space<vmem>>) semaphore(%run_scoped3A_126 : memref<!tpu.dma_semaphore, #tpu.memory_space<semaphore_mem>>) {add = true}
        %dma_wait3A_137 = arith.constant 0 : i32
        %dma_wait3A_138 = arith.constant 0 : i32
        %dma_wait3A_139 = tpu.memref_slice %arg11[%run_scoped3A, %dma_wait3A_137, %dma_wait3A_138] : memref<3x128x16xf32, #tpu.memory_space<vmem>> -> memref<1x128x16xf32, #tpu.memory_space<vmem>>
        %dma_wait3A_140 = tpu.memref_squeeze %dma_wait3A_139 : memref<1x128x16xf32, #tpu.memory_space<vmem>> -> memref<128x16xf32, #tpu.memory_space<vmem>>
        %dma_wait3A_141 = arith.constant 0 : i32
        %dma_wait3A_142 = tpu.memref_slice %arg10[%add3A_62, %dma_wait3A_141] : memref<81x128xi32, #tpu.memory_space<vmem>> -> memref<1x128xi32, #tpu.memory_space<vmem>>
        %dma_wait3A_143 = tpu.memref_squeeze %dma_wait3A_142 : memref<1x128xi32, #tpu.memory_space<vmem>> -> memref<128xi32, #tpu.memory_space<vmem>>
        %dma_wait3A_144 = arith.constant 0 : i32
        %dma_wait3A_145 = arith.constant 0 : i32
        %dma_wait3A_146 = tpu.memref_slice %arg15[%dma_wait3A_144, %dma_wait3A_145] : memref<10112x16xf32, #tpu.memory_space<vmem_shared>> -> memref<10112x16xf32, #tpu.memory_space<vmem_shared>>
        tpu.wait_indirect_dma semaphore(%run_scoped3A_126 : memref<!tpu.dma_semaphore, #tpu.memory_space<semaphore_mem>>) src(%dma_wait3A_140 : memref<128x16xf32, #tpu.memory_space<vmem>>) dst(%dma_wait3A_146 : memref<10112x16xf32, #tpu.memory_space<vmem_shared>>)
        tpu.yield
      }) : () -> ()
      %add3A_74 = arith.constant 3 : i32
      %add3A_75 = arith.addi %add3A_62, %add3A_74 : i32
      %lt3A = arith.constant 81 : i32
      %lt3A_76 = arith.cmpi slt, %add3A_75, %lt3A : i32
      %convert_element_type3A = arith.extui %lt3A_76 : i1 to i32
      %cond3A = arith.constant 0 : i32
      %cond3A_77 = arith.cmpi ne, %convert_element_type3A, %cond3A : i32
      scf.if %cond3A_77 {
        %dma_start3A_126 = arith.constant 0 : i32
        %dma_start3A_127 = arith.constant 0 : i32
        %dma_start3A_128 = arith.constant 0 : i32
        %dma_start3A_129 = tpu.memref_slice %arg11[%dma_start3A_126, %dma_start3A_127, %dma_start3A_128] : memref<3x128x16xf32, #tpu.memory_space<vmem>> -> memref<1x128x16xf32, #tpu.memory_space<vmem>>
        %dma_start3A_130 = tpu.memref_squeeze %dma_start3A_129 : memref<1x128x16xf32, #tpu.memory_space<vmem>> -> memref<128x16xf32, #tpu.memory_space<vmem>>
        %dma_start3A_131 = arith.constant 0 : i32
        %dma_start3A_132 = tpu.memref_slice %arg9[%add3A_75, %dma_start3A_131] : memref<81x128xi32, #tpu.memory_space<vmem>> -> memref<1x128xi32, #tpu.memory_space<vmem>>
        %dma_start3A_133 = tpu.memref_squeeze %dma_start3A_132 : memref<1x128xi32, #tpu.memory_space<vmem>> -> memref<128xi32, #tpu.memory_space<vmem>>
        %dma_start3A_134 = arith.constant 0 : i32
        %dma_start3A_135 = arith.constant 0 : i32
        %dma_start3A_136 = tpu.memref_slice %arg16[%dma_start3A_134, %dma_start3A_135] : memref<10112x16xf32, #tpu.memory_space<vmem_shared>> -> memref<10112x16xf32, #tpu.memory_space<vmem_shared>>
        tpu.enqueue_indirect_dma source(%dma_start3A_136 : memref<10112x16xf32, #tpu.memory_space<vmem_shared>>) target(%dma_start3A_130 : memref<128x16xf32, #tpu.memory_space<vmem>>) offsets(%dma_start3A_133 : memref<128xi32, #tpu.memory_space<vmem>>) semaphore(%arg17 : memref<!tpu.dma_semaphore, #tpu.memory_space<semaphore_mem>>)
      } else {
      }
      %mul3A_78 = arith.constant 3 : i32
      %mul3A_79 = arith.muli %mul3A_78, %scan3A_58 : i32
      %add3A_80 = arith.constant 1 : i32
      %add3A_81 = arith.addi %mul3A_79, %add3A_80 : i32
      %dma_wait3A_82 = arith.constant 1 : i32
      %dma_wait3A_83 = arith.constant 1 : i32
      %dma_wait3A_84 = arith.constant 0 : i32
      %dma_wait3A_85 = arith.constant 0 : i32
      %dma_wait3A_86 = tpu.memref_slice %arg11[%dma_wait3A_83, %dma_wait3A_84, %dma_wait3A_85] : memref<3x128x16xf32, #tpu.memory_space<vmem>> -> memref<1x128x16xf32, #tpu.memory_space<vmem>>
      %dma_wait3A_87 = tpu.memref_squeeze %dma_wait3A_86 : memref<1x128x16xf32, #tpu.memory_space<vmem>> -> memref<128x16xf32, #tpu.memory_space<vmem>>
      %dma_wait3A_88 = arith.constant 0 : i32
      %dma_wait3A_89 = tpu.memref_slice %arg9[%dma_wait3A_82, %dma_wait3A_88] : memref<81x128xi32, #tpu.memory_space<vmem>> -> memref<1x128xi32, #tpu.memory_space<vmem>>
      %dma_wait3A_90 = tpu.memref_squeeze %dma_wait3A_89 : memref<1x128xi32, #tpu.memory_space<vmem>> -> memref<128xi32, #tpu.memory_space<vmem>>
      %dma_wait3A_91 = arith.constant 0 : i32
      %dma_wait3A_92 = arith.constant 0 : i32
      %dma_wait3A_93 = tpu.memref_slice %arg16[%dma_wait3A_91, %dma_wait3A_92] : memref<10112x16xf32, #tpu.memory_space<vmem_shared>> -> memref<10112x16xf32, #tpu.memory_space<vmem_shared>>
      tpu.wait_indirect_dma semaphore(%arg18 : memref<!tpu.dma_semaphore, #tpu.memory_space<semaphore_mem>>) src(%dma_wait3A_93 : memref<10112x16xf32, #tpu.memory_space<vmem_shared>>) dst(%dma_wait3A_87 : memref<128x16xf32, #tpu.memory_space<vmem>>)
      %run_scoped3A_94 = arith.constant 1 : i32
      "tpu.region"() ({
        %run_scoped3A_126 = tpu.sem_alloc : memref<!tpu.dma_semaphore, #tpu.memory_space<semaphore_mem>>
        %dma_start3A_127 = arith.constant 0 : i32
        %dma_start3A_128 = arith.constant 0 : i32
        %dma_start3A_129 = tpu.memref_slice %arg11[%run_scoped3A_94, %dma_start3A_127, %dma_start3A_128] : memref<3x128x16xf32, #tpu.memory_space<vmem>> -> memref<1x128x16xf32, #tpu.memory_space<vmem>>
        %dma_start3A_130 = tpu.memref_squeeze %dma_start3A_129 : memref<1x128x16xf32, #tpu.memory_space<vmem>> -> memref<128x16xf32, #tpu.memory_space<vmem>>
        %dma_start3A_131 = arith.constant 0 : i32
        %dma_start3A_132 = tpu.memref_slice %arg10[%add3A_81, %dma_start3A_131] : memref<81x128xi32, #tpu.memory_space<vmem>> -> memref<1x128xi32, #tpu.memory_space<vmem>>
        %dma_start3A_133 = tpu.memref_squeeze %dma_start3A_132 : memref<1x128xi32, #tpu.memory_space<vmem>> -> memref<128xi32, #tpu.memory_space<vmem>>
        %dma_start3A_134 = arith.constant 0 : i32
        %dma_start3A_135 = arith.constant 0 : i32
        %dma_start3A_136 = tpu.memref_slice %arg15[%dma_start3A_134, %dma_start3A_135] : memref<10112x16xf32, #tpu.memory_space<vmem_shared>> -> memref<10112x16xf32, #tpu.memory_space<vmem_shared>>
        tpu.enqueue_indirect_dma source(%dma_start3A_130 : memref<128x16xf32, #tpu.memory_space<vmem>>) target(%dma_start3A_136 : memref<10112x16xf32, #tpu.memory_space<vmem_shared>>) offsets(%dma_start3A_133 : memref<128xi32, #tpu.memory_space<vmem>>) semaphore(%run_scoped3A_126 : memref<!tpu.dma_semaphore, #tpu.memory_space<semaphore_mem>>) {add = true}
        %dma_wait3A_137 = arith.constant 0 : i32
        %dma_wait3A_138 = arith.constant 0 : i32
        %dma_wait3A_139 = tpu.memref_slice %arg11[%run_scoped3A_94, %dma_wait3A_137, %dma_wait3A_138] : memref<3x128x16xf32, #tpu.memory_space<vmem>> -> memref<1x128x16xf32, #tpu.memory_space<vmem>>
        %dma_wait3A_140 = tpu.memref_squeeze %dma_wait3A_139 : memref<1x128x16xf32, #tpu.memory_space<vmem>> -> memref<128x16xf32, #tpu.memory_space<vmem>>
        %dma_wait3A_141 = arith.constant 0 : i32
        %dma_wait3A_142 = tpu.memref_slice %arg10[%add3A_81, %dma_wait3A_141] : memref<81x128xi32, #tpu.memory_space<vmem>> -> memref<1x128xi32, #tpu.memory_space<vmem>>
        %dma_wait3A_143 = tpu.memref_squeeze %dma_wait3A_142 : memref<1x128xi32, #tpu.memory_space<vmem>> -> memref<128xi32, #tpu.memory_space<vmem>>
        %dma_wait3A_144 = arith.constant 0 : i32
        %dma_wait3A_145 = arith.constant 0 : i32
        %dma_wait3A_146 = tpu.memref_slice %arg15[%dma_wait3A_144, %dma_wait3A_145] : memref<10112x16xf32, #tpu.memory_space<vmem_shared>> -> memref<10112x16xf32, #tpu.memory_space<vmem_shared>>
        tpu.wait_indirect_dma semaphore(%run_scoped3A_126 : memref<!tpu.dma_semaphore, #tpu.memory_space<semaphore_mem>>) src(%dma_wait3A_140 : memref<128x16xf32, #tpu.memory_space<vmem>>) dst(%dma_wait3A_146 : memref<10112x16xf32, #tpu.memory_space<vmem_shared>>)
        tpu.yield
      }) : () -> ()
      %add3A_95 = arith.constant 3 : i32
      %add3A_96 = arith.addi %add3A_81, %add3A_95 : i32
      %lt3A_97 = arith.constant 81 : i32
      %lt3A_98 = arith.cmpi slt, %add3A_96, %lt3A_97 : i32
      %convert_element_type3A_99 = arith.extui %lt3A_98 : i1 to i32
      %cond3A_100 = arith.constant 0 : i32
      %cond3A_101 = arith.cmpi ne, %convert_element_type3A_99, %cond3A_100 : i32
      scf.if %cond3A_101 {
        %dma_start3A_126 = arith.constant 1 : i32
        %dma_start3A_127 = arith.constant 0 : i32
        %dma_start3A_128 = arith.constant 0 : i32
        %dma_start3A_129 = tpu.memref_slice %arg11[%dma_start3A_126, %dma_start3A_127, %dma_start3A_128] : memref<3x128x16xf32, #tpu.memory_space<vmem>> -> memref<1x128x16xf32, #tpu.memory_space<vmem>>
        %dma_start3A_130 = tpu.memref_squeeze %dma_start3A_129 : memref<1x128x16xf32, #tpu.memory_space<vmem>> -> memref<128x16xf32, #tpu.memory_space<vmem>>
        %dma_start3A_131 = arith.constant 0 : i32
        %dma_start3A_132 = tpu.memref_slice %arg9[%add3A_96, %dma_start3A_131] : memref<81x128xi32, #tpu.memory_space<vmem>> -> memref<1x128xi32, #tpu.memory_space<vmem>>
        %dma_start3A_133 = tpu.memref_squeeze %dma_start3A_132 : memref<1x128xi32, #tpu.memory_space<vmem>> -> memref<128xi32, #tpu.memory_space<vmem>>
        %dma_start3A_134 = arith.constant 0 : i32
        %dma_start3A_135 = arith.constant 0 : i32
        %dma_start3A_136 = tpu.memref_slice %arg16[%dma_start3A_134, %dma_start3A_135] : memref<10112x16xf32, #tpu.memory_space<vmem_shared>> -> memref<10112x16xf32, #tpu.memory_space<vmem_shared>>
        tpu.enqueue_indirect_dma source(%dma_start3A_136 : memref<10112x16xf32, #tpu.memory_space<vmem_shared>>) target(%dma_start3A_130 : memref<128x16xf32, #tpu.memory_space<vmem>>) offsets(%dma_start3A_133 : memref<128xi32, #tpu.memory_space<vmem>>) semaphore(%arg18 : memref<!tpu.dma_semaphore, #tpu.memory_space<semaphore_mem>>)
      } else {
      }
      %mul3A_102 = arith.constant 3 : i32
      %mul3A_103 = arith.muli %mul3A_102, %scan3A_58 : i32
      %add3A_104 = arith.constant 2 : i32
      %add3A_105 = arith.addi %mul3A_103, %add3A_104 : i32
      %dma_wait3A_106 = arith.constant 2 : i32
      %dma_wait3A_107 = arith.constant 2 : i32
      %dma_wait3A_108 = arith.constant 0 : i32
      %dma_wait3A_109 = arith.constant 0 : i32
      %dma_wait3A_110 = tpu.memref_slice %arg11[%dma_wait3A_107, %dma_wait3A_108, %dma_wait3A_109] : memref<3x128x16xf32, #tpu.memory_space<vmem>> -> memref<1x128x16xf32, #tpu.memory_space<vmem>>
      %dma_wait3A_111 = tpu.memref_squeeze %dma_wait3A_110 : memref<1x128x16xf32, #tpu.memory_space<vmem>> -> memref<128x16xf32, #tpu.memory_space<vmem>>
      %dma_wait3A_112 = arith.constant 0 : i32
      %dma_wait3A_113 = tpu.memref_slice %arg9[%dma_wait3A_106, %dma_wait3A_112] : memref<81x128xi32, #tpu.memory_space<vmem>> -> memref<1x128xi32, #tpu.memory_space<vmem>>
      %dma_wait3A_114 = tpu.memref_squeeze %dma_wait3A_113 : memref<1x128xi32, #tpu.memory_space<vmem>> -> memref<128xi32, #tpu.memory_space<vmem>>
      %dma_wait3A_115 = arith.constant 0 : i32
      %dma_wait3A_116 = arith.constant 0 : i32
      %dma_wait3A_117 = tpu.memref_slice %arg16[%dma_wait3A_115, %dma_wait3A_116] : memref<10112x16xf32, #tpu.memory_space<vmem_shared>> -> memref<10112x16xf32, #tpu.memory_space<vmem_shared>>
      tpu.wait_indirect_dma semaphore(%arg19 : memref<!tpu.dma_semaphore, #tpu.memory_space<semaphore_mem>>) src(%dma_wait3A_117 : memref<10112x16xf32, #tpu.memory_space<vmem_shared>>) dst(%dma_wait3A_111 : memref<128x16xf32, #tpu.memory_space<vmem>>)
      %run_scoped3A_118 = arith.constant 2 : i32
      "tpu.region"() ({
        %run_scoped3A_126 = tpu.sem_alloc : memref<!tpu.dma_semaphore, #tpu.memory_space<semaphore_mem>>
        %dma_start3A_127 = arith.constant 0 : i32
        %dma_start3A_128 = arith.constant 0 : i32
        %dma_start3A_129 = tpu.memref_slice %arg11[%run_scoped3A_118, %dma_start3A_127, %dma_start3A_128] : memref<3x128x16xf32, #tpu.memory_space<vmem>> -> memref<1x128x16xf32, #tpu.memory_space<vmem>>
        %dma_start3A_130 = tpu.memref_squeeze %dma_start3A_129 : memref<1x128x16xf32, #tpu.memory_space<vmem>> -> memref<128x16xf32, #tpu.memory_space<vmem>>
        %dma_start3A_131 = arith.constant 0 : i32
        %dma_start3A_132 = tpu.memref_slice %arg10[%add3A_105, %dma_start3A_131] : memref<81x128xi32, #tpu.memory_space<vmem>> -> memref<1x128xi32, #tpu.memory_space<vmem>>
        %dma_start3A_133 = tpu.memref_squeeze %dma_start3A_132 : memref<1x128xi32, #tpu.memory_space<vmem>> -> memref<128xi32, #tpu.memory_space<vmem>>
        %dma_start3A_134 = arith.constant 0 : i32
        %dma_start3A_135 = arith.constant 0 : i32
        %dma_start3A_136 = tpu.memref_slice %arg15[%dma_start3A_134, %dma_start3A_135] : memref<10112x16xf32, #tpu.memory_space<vmem_shared>> -> memref<10112x16xf32, #tpu.memory_space<vmem_shared>>
        tpu.enqueue_indirect_dma source(%dma_start3A_130 : memref<128x16xf32, #tpu.memory_space<vmem>>) target(%dma_start3A_136 : memref<10112x16xf32, #tpu.memory_space<vmem_shared>>) offsets(%dma_start3A_133 : memref<128xi32, #tpu.memory_space<vmem>>) semaphore(%run_scoped3A_126 : memref<!tpu.dma_semaphore, #tpu.memory_space<semaphore_mem>>) {add = true}
        %dma_wait3A_137 = arith.constant 0 : i32
        %dma_wait3A_138 = arith.constant 0 : i32
        %dma_wait3A_139 = tpu.memref_slice %arg11[%run_scoped3A_118, %dma_wait3A_137, %dma_wait3A_138] : memref<3x128x16xf32, #tpu.memory_space<vmem>> -> memref<1x128x16xf32, #tpu.memory_space<vmem>>
        %dma_wait3A_140 = tpu.memref_squeeze %dma_wait3A_139 : memref<1x128x16xf32, #tpu.memory_space<vmem>> -> memref<128x16xf32, #tpu.memory_space<vmem>>
        %dma_wait3A_141 = arith.constant 0 : i32
        %dma_wait3A_142 = tpu.memref_slice %arg10[%add3A_105, %dma_wait3A_141] : memref<81x128xi32, #tpu.memory_space<vmem>> -> memref<1x128xi32, #tpu.memory_space<vmem>>
        %dma_wait3A_143 = tpu.memref_squeeze %dma_wait3A_142 : memref<1x128xi32, #tpu.memory_space<vmem>> -> memref<128xi32, #tpu.memory_space<vmem>>
        %dma_wait3A_144 = arith.constant 0 : i32
        %dma_wait3A_145 = arith.constant 0 : i32
        %dma_wait3A_146 = tpu.memref_slice %arg15[%dma_wait3A_144, %dma_wait3A_145] : memref<10112x16xf32, #tpu.memory_space<vmem_shared>> -> memref<10112x16xf32, #tpu.memory_space<vmem_shared>>
        tpu.wait_indirect_dma semaphore(%run_scoped3A_126 : memref<!tpu.dma_semaphore, #tpu.memory_space<semaphore_mem>>) src(%dma_wait3A_140 : memref<128x16xf32, #tpu.memory_space<vmem>>) dst(%dma_wait3A_146 : memref<10112x16xf32, #tpu.memory_space<vmem_shared>>)
        tpu.yield
      }) : () -> ()
      %add3A_119 = arith.constant 3 : i32
      %add3A_120 = arith.addi %add3A_105, %add3A_119 : i32
      %lt3A_121 = arith.constant 81 : i32
      %lt3A_122 = arith.cmpi slt, %add3A_120, %lt3A_121 : i32
      %convert_element_type3A_123 = arith.extui %lt3A_122 : i1 to i32
      %cond3A_124 = arith.constant 0 : i32
      %cond3A_125 = arith.cmpi ne, %convert_element_type3A_123, %cond3A_124 : i32
      scf.if %cond3A_125 {
        %dma_start3A_126 = arith.constant 2 : i32
        %dma_start3A_127 = arith.constant 0 : i32
        %dma_start3A_128 = arith.constant 0 : i32
        %dma_start3A_129 = tpu.memref_slice %arg11[%dma_start3A_126, %dma_start3A_127, %dma_start3A_128] : memref<3x128x16xf32, #tpu.memory_space<vmem>> -> memref<1x128x16xf32, #tpu.memory_space<vmem>>
        %dma_start3A_130 = tpu.memref_squeeze %dma_start3A_129 : memref<1x128x16xf32, #tpu.memory_space<vmem>> -> memref<128x16xf32, #tpu.memory_space<vmem>>
        %dma_start3A_131 = arith.constant 0 : i32
        %dma_start3A_132 = tpu.memref_slice %arg9[%add3A_120, %dma_start3A_131] : memref<81x128xi32, #tpu.memory_space<vmem>> -> memref<1x128xi32, #tpu.memory_space<vmem>>
        %dma_start3A_133 = tpu.memref_squeeze %dma_start3A_132 : memref<1x128xi32, #tpu.memory_space<vmem>> -> memref<128xi32, #tpu.memory_space<vmem>>
        %dma_start3A_134 = arith.constant 0 : i32
        %dma_start3A_135 = arith.constant 0 : i32
        %dma_start3A_136 = tpu.memref_slice %arg16[%dma_start3A_134, %dma_start3A_135] : memref<10112x16xf32, #tpu.memory_space<vmem_shared>> -> memref<10112x16xf32, #tpu.memory_space<vmem_shared>>
        tpu.enqueue_indirect_dma source(%dma_start3A_136 : memref<10112x16xf32, #tpu.memory_space<vmem_shared>>) target(%dma_start3A_130 : memref<128x16xf32, #tpu.memory_space<vmem>>) offsets(%dma_start3A_133 : memref<128xi32, #tpu.memory_space<vmem>>) semaphore(%arg19 : memref<!tpu.dma_semaphore, #tpu.memory_space<semaphore_mem>>)
      } else {
      }
    }
    %scan3A_53 = arith.constant 27 : i32
    %barrier3A_54 = arith.constant 0 : index
    tpu.barrier barrier_id(%barrier3A_54)
    %mul3A_55 = arith.constant 10112 : i32
    %mul3A_56 = arith.muli %arg0, %mul3A_55 : i32
    %add3A_57 = arith.addi %mul3A_56, %mul3A_2 : i32
    "tpu.region"() ({
      %run_scoped3A = tpu.sem_alloc : memref<!tpu.dma_semaphore, #tpu.memory_space<semaphore_mem>>
      %dma_start3A_58 = arith.constant 0 : i32
      %dma_start3A_59 = tpu.memref_slice %arg7[%add3A_57, %dma_start3A_58] : memref<20224x16xf32, #tpu.memory_space<hbm>> -> memref<632x16xf32, #tpu.memory_space<hbm>>
      %dma_start3A_60 = arith.constant 0 : i32
      %dma_start3A_61 = tpu.memref_slice %arg15[%mul3A_2, %dma_start3A_60] : memref<10112x16xf32, #tpu.memory_space<vmem_shared>> -> memref<632x16xf32, #tpu.memory_space<vmem_shared>>
      tpu.enqueue_dma source(%dma_start3A_61 : memref<632x16xf32, #tpu.memory_space<vmem_shared>>) target(%dma_start3A_59 : memref<632x16xf32, #tpu.memory_space<hbm>>) target_semaphore(%run_scoped3A : memref<!tpu.dma_semaphore, #tpu.memory_space<semaphore_mem>>)
      %dma_wait3A = arith.constant 0 : i32
      %dma_wait3A_62 = tpu.memref_slice %arg7[%add3A_57, %dma_wait3A] : memref<20224x16xf32, #tpu.memory_space<hbm>> -> memref<632x16xf32, #tpu.memory_space<hbm>>
      %dma_wait3A_63 = arith.constant 0 : i32
      %dma_wait3A_64 = tpu.memref_slice %arg15[%mul3A_2, %dma_wait3A_63] : memref<10112x16xf32, #tpu.memory_space<vmem_shared>> -> memref<632x16xf32, #tpu.memory_space<vmem_shared>>
      tpu.wait_dma2 semaphore(%run_scoped3A : memref<!tpu.dma_semaphore, #tpu.memory_space<semaphore_mem>>) src(%dma_wait3A_64 : memref<632x16xf32, #tpu.memory_space<vmem_shared>>) dst(%dma_wait3A_62 : memref<632x16xf32, #tpu.memory_space<hbm>>)
      tpu.yield
    }) : () -> ()
    return
  }
}

#map = affine_map<(d0, d1) -> (0, 0, 0)>
#map1 = affine_map<(d0, d1) -> (0, 0)>
module attributes {stable_mosaic.version = 14 : i64} {
  func.func @_deg_body(%arg0: i32, %arg1: i32, %arg2: memref<32x81x128xi32, #tpu.memory_space<hbm>>, %arg3: memref<10112x16xf32, #tpu.memory_space<hbm>>, %arg4: memref<128x16xf32, #tpu.memory_space<hbm>>, %arg5: memref<20224x16xf32, #tpu.memory_space<hbm>>, %arg6: memref<81x128xi32, #tpu.memory_space<vmem>>, %arg7: memref<128x16xf32, #tpu.memory_space<vmem>>, %arg8: memref<10112x16xf32, #tpu.memory_space<vmem_shared>>, %arg9: memref<!tpu.dma_semaphore, #tpu.memory_space<semaphore_mem>>) attributes {dimension_semantics = [#tpu.dimension_semantics<core_parallel>, #tpu.dimension_semantics<subcore_parallel>], iteration_bounds = array<i64: 2, 16>, scalar_prefetch = 0 : i64, scratch_operands = 4 : i64, tpu.core_type = #tpu.core_type<sc_vector_subcore>, window_params = [{transform_indices = #map}, {transform_indices = #map1}, {transform_indices = #map1}, {transform_indices = #map1}]} {
    %mul3A = arith.constant 16 : i32
    %mul3A_0 = arith.muli %arg0, %mul3A : i32
    %add3A = arith.addi %mul3A_0, %arg1 : i32
    "tpu.region"() ({
      %run_scoped3A = tpu.sem_alloc : memref<!tpu.dma_semaphore, #tpu.memory_space<semaphore_mem>>
      %dma_start3A = arith.constant 0 : i32
      %dma_start3A_24 = arith.constant 0 : i32
      %dma_start3A_25 = tpu.memref_slice %arg2[%add3A, %dma_start3A, %dma_start3A_24] : memref<32x81x128xi32, #tpu.memory_space<hbm>> -> memref<1x81x128xi32, #tpu.memory_space<hbm>>
      %dma_start3A_26 = tpu.memref_squeeze %dma_start3A_25 : memref<1x81x128xi32, #tpu.memory_space<hbm>> -> memref<81x128xi32, #tpu.memory_space<hbm>>
      %dma_start3A_27 = arith.constant 0 : i32
      %dma_start3A_28 = arith.constant 0 : i32
      %dma_start3A_29 = tpu.memref_slice %arg2[%add3A, %dma_start3A_27, %dma_start3A_28] : memref<32x81x128xi32, #tpu.memory_space<hbm>> -> memref<1x81x128xi32, #tpu.memory_space<hbm>>
      %dma_start3A_30 = tpu.memref_squeeze %dma_start3A_29 : memref<1x81x128xi32, #tpu.memory_space<hbm>> -> memref<81x128xi32, #tpu.memory_space<hbm>>
      tpu.enqueue_dma source(%dma_start3A_30 : memref<81x128xi32, #tpu.memory_space<hbm>>) target(%arg6 : memref<81x128xi32, #tpu.memory_space<vmem>>) target_semaphore(%run_scoped3A : memref<!tpu.dma_semaphore, #tpu.memory_space<semaphore_mem>>)
      %dma_wait3A = arith.constant 0 : i32
      %dma_wait3A_31 = arith.constant 0 : i32
      %dma_wait3A_32 = tpu.memref_slice %arg2[%add3A, %dma_wait3A, %dma_wait3A_31] : memref<32x81x128xi32, #tpu.memory_space<hbm>> -> memref<1x81x128xi32, #tpu.memory_space<hbm>>
      %dma_wait3A_33 = tpu.memref_squeeze %dma_wait3A_32 : memref<1x81x128xi32, #tpu.memory_space<hbm>> -> memref<81x128xi32, #tpu.memory_space<hbm>>
      %dma_wait3A_34 = arith.constant 0 : i32
      %dma_wait3A_35 = arith.constant 0 : i32
      %dma_wait3A_36 = tpu.memref_slice %arg2[%add3A, %dma_wait3A_34, %dma_wait3A_35] : memref<32x81x128xi32, #tpu.memory_space<hbm>> -> memref<1x81x128xi32, #tpu.memory_space<hbm>>
      %dma_wait3A_37 = tpu.memref_squeeze %dma_wait3A_36 : memref<1x81x128xi32, #tpu.memory_space<hbm>> -> memref<81x128xi32, #tpu.memory_space<hbm>>
      tpu.wait_dma2 semaphore(%run_scoped3A : memref<!tpu.dma_semaphore, #tpu.memory_space<semaphore_mem>>) src(%dma_wait3A_37 : memref<81x128xi32, #tpu.memory_space<hbm>>) dst(%arg6 : memref<81x128xi32, #tpu.memory_space<vmem>>)
      tpu.yield
    }) : () -> ()
    "tpu.region"() ({
      %run_scoped3A = tpu.sem_alloc : memref<!tpu.dma_semaphore, #tpu.memory_space<semaphore_mem>>
      tpu.enqueue_dma source(%arg4 : memref<128x16xf32, #tpu.memory_space<hbm>>) target(%arg7 : memref<128x16xf32, #tpu.memory_space<vmem>>) target_semaphore(%run_scoped3A : memref<!tpu.dma_semaphore, #tpu.memory_space<semaphore_mem>>)
      tpu.wait_dma2 semaphore(%run_scoped3A : memref<!tpu.dma_semaphore, #tpu.memory_space<semaphore_mem>>) src(%arg4 : memref<128x16xf32, #tpu.memory_space<hbm>>) dst(%arg7 : memref<128x16xf32, #tpu.memory_space<vmem>>)
      tpu.yield
    }) : () -> ()
    %mul3A_1 = arith.constant 632 : i32
    %mul3A_2 = arith.muli %arg1, %mul3A_1 : i32
    %mul3A_3 = arith.constant 632 : i32
    %mul3A_4 = arith.muli %arg1, %mul3A_3 : i32
    "tpu.region"() ({
      %run_scoped3A = tpu.sem_alloc : memref<!tpu.dma_semaphore, #tpu.memory_space<semaphore_mem>>
      %dma_start3A = arith.constant 0 : i32
      %dma_start3A_24 = tpu.memref_slice %arg8[%mul3A_4, %dma_start3A] : memref<10112x16xf32, #tpu.memory_space<vmem_shared>> -> memref<632x16xf32, #tpu.memory_space<vmem_shared>>
      %dma_start3A_25 = arith.constant 0 : i32
      %dma_start3A_26 = tpu.memref_slice %arg3[%mul3A_2, %dma_start3A_25] : memref<10112x16xf32, #tpu.memory_space<hbm>> -> memref<632x16xf32, #tpu.memory_space<hbm>>
      tpu.enqueue_dma source(%dma_start3A_26 : memref<632x16xf32, #tpu.memory_space<hbm>>) target(%dma_start3A_24 : memref<632x16xf32, #tpu.memory_space<vmem_shared>>) target_semaphore(%run_scoped3A : memref<!tpu.dma_semaphore, #tpu.memory_space<semaphore_mem>>)
      %dma_wait3A = arith.constant 0 : i32
      %dma_wait3A_27 = tpu.memref_slice %arg8[%mul3A_4, %dma_wait3A] : memref<10112x16xf32, #tpu.memory_space<vmem_shared>> -> memref<632x16xf32, #tpu.memory_space<vmem_shared>>
      %dma_wait3A_28 = arith.constant 0 : i32
      %dma_wait3A_29 = tpu.memref_slice %arg3[%mul3A_2, %dma_wait3A_28] : memref<10112x16xf32, #tpu.memory_space<hbm>> -> memref<632x16xf32, #tpu.memory_space<hbm>>
      tpu.wait_dma2 semaphore(%run_scoped3A : memref<!tpu.dma_semaphore, #tpu.memory_space<semaphore_mem>>) src(%dma_wait3A_29 : memref<632x16xf32, #tpu.memory_space<hbm>>) dst(%dma_wait3A_27 : memref<632x16xf32, #tpu.memory_space<vmem_shared>>)
      tpu.yield
    }) : () -> ()
    %barrier3A = arith.constant 0 : index
    tpu.barrier barrier_id(%barrier3A)
    %scan3A = arith.constant 0 : i32
    %scan3A_5 = arith.constant 0 : i32
    %scan3A_6 = arith.constant 81 : i32
    %scan3A_7 = arith.addi %scan3A_5, %scan3A_6 : i32
    %scan3A_8 = arith.constant 1 : i32
    scf.for %scan3A_24 = %scan3A_5 to %scan3A_7 step %scan3A_8  : i32 {
      %dma_start3A = arith.constant 0 : i32
      %dma_start3A_25 = tpu.memref_slice %arg6[%scan3A_24, %dma_start3A] : memref<81x128xi32, #tpu.memory_space<vmem>> -> memref<1x128xi32, #tpu.memory_space<vmem>>
      %dma_start3A_26 = tpu.memref_squeeze %dma_start3A_25 : memref<1x128xi32, #tpu.memory_space<vmem>> -> memref<128xi32, #tpu.memory_space<vmem>>
      %dma_start3A_27 = arith.constant 0 : i32
      %dma_start3A_28 = arith.constant 0 : i32
      %dma_start3A_29 = tpu.memref_slice %arg8[%dma_start3A_27, %dma_start3A_28] : memref<10112x16xf32, #tpu.memory_space<vmem_shared>> -> memref<10112x16xf32, #tpu.memory_space<vmem_shared>>
      tpu.enqueue_indirect_dma source(%arg7 : memref<128x16xf32, #tpu.memory_space<vmem>>) target(%dma_start3A_29 : memref<10112x16xf32, #tpu.memory_space<vmem_shared>>) offsets(%dma_start3A_26 : memref<128xi32, #tpu.memory_space<vmem>>) semaphore(%arg9 : memref<!tpu.dma_semaphore, #tpu.memory_space<semaphore_mem>>) {add = true}
      %ge3A = arith.constant 8 : i32
      %ge3A_30 = arith.cmpi sge, %scan3A_24, %ge3A : i32
      %convert_element_type3A = arith.extui %ge3A_30 : i1 to i32
      %cond3A = arith.constant 0 : i32
      %cond3A_31 = arith.cmpi ne, %convert_element_type3A, %cond3A : i32
      scf.if %cond3A_31 {
        %dma_wait3A = arith.constant 0 : i32
        %dma_wait3A_32 = tpu.memref_slice %arg6[%scan3A_24, %dma_wait3A] : memref<81x128xi32, #tpu.memory_space<vmem>> -> memref<1x128xi32, #tpu.memory_space<vmem>>
        %dma_wait3A_33 = tpu.memref_squeeze %dma_wait3A_32 : memref<1x128xi32, #tpu.memory_space<vmem>> -> memref<128xi32, #tpu.memory_space<vmem>>
        %dma_wait3A_34 = arith.constant 0 : i32
        %dma_wait3A_35 = arith.constant 0 : i32
        %dma_wait3A_36 = tpu.memref_slice %arg8[%dma_wait3A_34, %dma_wait3A_35] : memref<10112x16xf32, #tpu.memory_space<vmem_shared>> -> memref<10112x16xf32, #tpu.memory_space<vmem_shared>>
        tpu.wait_indirect_dma semaphore(%arg9 : memref<!tpu.dma_semaphore, #tpu.memory_space<semaphore_mem>>) src(%arg7 : memref<128x16xf32, #tpu.memory_space<vmem>>) dst(%dma_wait3A_36 : memref<10112x16xf32, #tpu.memory_space<vmem_shared>>)
      } else {
      }
    }
    %scan3A_9 = arith.constant 81 : i32
    %scan3A_10 = arith.constant 0 : i32
    %scan3A_11 = arith.constant 0 : i32
    %scan3A_12 = arith.constant 8 : i32
    %scan3A_13 = arith.addi %scan3A_11, %scan3A_12 : i32
    %scan3A_14 = arith.constant 1 : i32
    scf.for %scan3A_24 = %scan3A_11 to %scan3A_13 step %scan3A_14  : i32 {
      %dma_wait3A = arith.constant 0 : i32
      %dma_wait3A_25 = tpu.memref_slice %arg6[%scan3A_24, %dma_wait3A] : memref<81x128xi32, #tpu.memory_space<vmem>> -> memref<1x128xi32, #tpu.memory_space<vmem>>
      %dma_wait3A_26 = tpu.memref_squeeze %dma_wait3A_25 : memref<1x128xi32, #tpu.memory_space<vmem>> -> memref<128xi32, #tpu.memory_space<vmem>>
      %dma_wait3A_27 = arith.constant 0 : i32
      %dma_wait3A_28 = arith.constant 0 : i32
      %dma_wait3A_29 = tpu.memref_slice %arg8[%dma_wait3A_27, %dma_wait3A_28] : memref<10112x16xf32, #tpu.memory_space<vmem_shared>> -> memref<10112x16xf32, #tpu.memory_space<vmem_shared>>
      tpu.wait_indirect_dma semaphore(%arg9 : memref<!tpu.dma_semaphore, #tpu.memory_space<semaphore_mem>>) src(%arg7 : memref<128x16xf32, #tpu.memory_space<vmem>>) dst(%dma_wait3A_29 : memref<10112x16xf32, #tpu.memory_space<vmem_shared>>)
    }
    %scan3A_15 = arith.constant 8 : i32
    %barrier3A_16 = arith.constant 0 : index
    tpu.barrier barrier_id(%barrier3A_16)
    %mul3A_17 = arith.constant 632 : i32
    %mul3A_18 = arith.muli %arg1, %mul3A_17 : i32
    %mul3A_19 = arith.constant 10112 : i32
    %mul3A_20 = arith.muli %arg0, %mul3A_19 : i32
    %mul3A_21 = arith.constant 632 : i32
    %mul3A_22 = arith.muli %arg1, %mul3A_21 : i32
    %add3A_23 = arith.addi %mul3A_20, %mul3A_22 : i32
    "tpu.region"() ({
      %run_scoped3A = tpu.sem_alloc : memref<!tpu.dma_semaphore, #tpu.memory_space<semaphore_mem>>
      %dma_start3A = arith.constant 0 : i32
      %dma_start3A_24 = tpu.memref_slice %arg5[%add3A_23, %dma_start3A] : memref<20224x16xf32, #tpu.memory_space<hbm>> -> memref<632x16xf32, #tpu.memory_space<hbm>>
      %dma_start3A_25 = arith.constant 0 : i32
      %dma_start3A_26 = tpu.memref_slice %arg8[%mul3A_18, %dma_start3A_25] : memref<10112x16xf32, #tpu.memory_space<vmem_shared>> -> memref<632x16xf32, #tpu.memory_space<vmem_shared>>
      tpu.enqueue_dma source(%dma_start3A_26 : memref<632x16xf32, #tpu.memory_space<vmem_shared>>) target(%dma_start3A_24 : memref<632x16xf32, #tpu.memory_space<hbm>>) target_semaphore(%run_scoped3A : memref<!tpu.dma_semaphore, #tpu.memory_space<semaphore_mem>>)
      %dma_wait3A = arith.constant 0 : i32
      %dma_wait3A_27 = tpu.memref_slice %arg5[%add3A_23, %dma_wait3A] : memref<20224x16xf32, #tpu.memory_space<hbm>> -> memref<632x16xf32, #tpu.memory_space<hbm>>
      %dma_wait3A_28 = arith.constant 0 : i32
      %dma_wait3A_29 = tpu.memref_slice %arg8[%mul3A_18, %dma_wait3A_28] : memref<10112x16xf32, #tpu.memory_space<vmem_shared>> -> memref<632x16xf32, #tpu.memory_space<vmem_shared>>
      tpu.wait_dma2 semaphore(%run_scoped3A : memref<!tpu.dma_semaphore, #tpu.memory_space<semaphore_mem>>) src(%dma_wait3A_29 : memref<632x16xf32, #tpu.memory_space<vmem_shared>>) dst(%dma_wait3A_27 : memref<632x16xf32, #tpu.memory_space<hbm>>)
      tpu.yield
    }) : () -> ()
    return
  }
}

#map = affine_map<(d0, d1) -> (0, 0)>
#map1 = affine_map<(d0, d1) -> (0, 0, 0)>
module attributes {stable_mosaic.version = 14 : i64} {
  func.func @_agg2_body(%arg0: i32, %arg1: i32, %arg2: memref<20224x16xf32, #tpu.memory_space<hbm>>, %arg3: memref<20224x16xf32, #tpu.memory_space<hbm>>, %arg4: memref<1x16xf32, #tpu.memory_space<hbm>>, %arg5: memref<32x81x128xi32, #tpu.memory_space<hbm>>, %arg6: memref<32x81x128xi32, #tpu.memory_space<hbm>>, %arg7: memref<10112x16xf32, #tpu.memory_space<hbm>>, %arg8: memref<20224x16xf32, #tpu.memory_space<hbm>>, %arg9: memref<81x128xi32, #tpu.memory_space<vmem>>, %arg10: memref<81x128xi32, #tpu.memory_space<vmem>>, %arg11: memref<3x128x16xf32, #tpu.memory_space<vmem>>, %arg12: memref<632x16xf32, #tpu.memory_space<vmem>>, %arg13: memref<632x16xf32, #tpu.memory_space<vmem>>, %arg14: memref<632x16xf32, #tpu.memory_space<vmem>>, %arg15: memref<632x16xf32, #tpu.memory_space<vmem>>, %arg16: memref<1x16xf32, #tpu.memory_space<vmem>>, %arg17: memref<10112x16xf32, #tpu.memory_space<vmem_shared>>, %arg18: memref<10112x16xf32, #tpu.memory_space<vmem_shared>>, %arg19: memref<!tpu.dma_semaphore, #tpu.memory_space<semaphore_mem>>, %arg20: memref<!tpu.dma_semaphore, #tpu.memory_space<semaphore_mem>>, %arg21: memref<!tpu.dma_semaphore, #tpu.memory_space<semaphore_mem>>) attributes {dimension_semantics = [#tpu.dimension_semantics<core_parallel>, #tpu.dimension_semantics<subcore_parallel>], iteration_bounds = array<i64: 2, 16>, scalar_prefetch = 0 : i64, scratch_operands = 13 : i64, tpu.core_type = #tpu.core_type<sc_vector_subcore>, window_params = [{transform_indices = #map}, {transform_indices = #map}, {transform_indices = #map}, {transform_indices = #map1}, {transform_indices = #map1}, {transform_indices = #map}, {transform_indices = #map}]} {
    %mul3A = arith.constant 16 : i32
    %mul3A_0 = arith.muli %arg0, %mul3A : i32
    %add3A = arith.addi %mul3A_0, %arg1 : i32
    %mul3A_1 = arith.constant 632 : i32
    %mul3A_2 = arith.muli %arg1, %mul3A_1 : i32
    "tpu.region"() ({
      %run_scoped3A = tpu.sem_alloc : memref<!tpu.dma_semaphore, #tpu.memory_space<semaphore_mem>>
      %dma_start3A_62 = arith.constant 0 : i32
      %dma_start3A_63 = arith.constant 0 : i32
      %dma_start3A_64 = tpu.memref_slice %arg5[%add3A, %dma_start3A_62, %dma_start3A_63] : memref<32x81x128xi32, #tpu.memory_space<hbm>> -> memref<1x81x128xi32, #tpu.memory_space<hbm>>
      %dma_start3A_65 = tpu.memref_squeeze %dma_start3A_64 : memref<1x81x128xi32, #tpu.memory_space<hbm>> -> memref<81x128xi32, #tpu.memory_space<hbm>>
      %dma_start3A_66 = arith.constant 0 : i32
      %dma_start3A_67 = arith.constant 0 : i32
      %dma_start3A_68 = tpu.memref_slice %arg5[%add3A, %dma_start3A_66, %dma_start3A_67] : memref<32x81x128xi32, #tpu.memory_space<hbm>> -> memref<1x81x128xi32, #tpu.memory_space<hbm>>
      %dma_start3A_69 = tpu.memref_squeeze %dma_start3A_68 : memref<1x81x128xi32, #tpu.memory_space<hbm>> -> memref<81x128xi32, #tpu.memory_space<hbm>>
      tpu.enqueue_dma source(%dma_start3A_69 : memref<81x128xi32, #tpu.memory_space<hbm>>) target(%arg9 : memref<81x128xi32, #tpu.memory_space<vmem>>) target_semaphore(%run_scoped3A : memref<!tpu.dma_semaphore, #tpu.memory_space<semaphore_mem>>)
      %dma_wait3A = arith.constant 0 : i32
      %dma_wait3A_70 = arith.constant 0 : i32
      %dma_wait3A_71 = tpu.memref_slice %arg5[%add3A, %dma_wait3A, %dma_wait3A_70] : memref<32x81x128xi32, #tpu.memory_space<hbm>> -> memref<1x81x128xi32, #tpu.memory_space<hbm>>
      %dma_wait3A_72 = tpu.memref_squeeze %dma_wait3A_71 : memref<1x81x128xi32, #tpu.memory_space<hbm>> -> memref<81x128xi32, #tpu.memory_space<hbm>>
      %dma_wait3A_73 = arith.constant 0 : i32
      %dma_wait3A_74 = arith.constant 0 : i32
      %dma_wait3A_75 = tpu.memref_slice %arg5[%add3A, %dma_wait3A_73, %dma_wait3A_74] : memref<32x81x128xi32, #tpu.memory_space<hbm>> -> memref<1x81x128xi32, #tpu.memory_space<hbm>>
      %dma_wait3A_76 = tpu.memref_squeeze %dma_wait3A_75 : memref<1x81x128xi32, #tpu.memory_space<hbm>> -> memref<81x128xi32, #tpu.memory_space<hbm>>
      tpu.wait_dma2 semaphore(%run_scoped3A : memref<!tpu.dma_semaphore, #tpu.memory_space<semaphore_mem>>) src(%dma_wait3A_76 : memref<81x128xi32, #tpu.memory_space<hbm>>) dst(%arg9 : memref<81x128xi32, #tpu.memory_space<vmem>>)
      tpu.yield
    }) : () -> ()
    "tpu.region"() ({
      %run_scoped3A = tpu.sem_alloc : memref<!tpu.dma_semaphore, #tpu.memory_space<semaphore_mem>>
      %dma_start3A_62 = arith.constant 0 : i32
      %dma_start3A_63 = arith.constant 0 : i32
      %dma_start3A_64 = tpu.memref_slice %arg6[%add3A, %dma_start3A_62, %dma_start3A_63] : memref<32x81x128xi32, #tpu.memory_space<hbm>> -> memref<1x81x128xi32, #tpu.memory_space<hbm>>
      %dma_start3A_65 = tpu.memref_squeeze %dma_start3A_64 : memref<1x81x128xi32, #tpu.memory_space<hbm>> -> memref<81x128xi32, #tpu.memory_space<hbm>>
      %dma_start3A_66 = arith.constant 0 : i32
      %dma_start3A_67 = arith.constant 0 : i32
      %dma_start3A_68 = tpu.memref_slice %arg6[%add3A, %dma_start3A_66, %dma_start3A_67] : memref<32x81x128xi32, #tpu.memory_space<hbm>> -> memref<1x81x128xi32, #tpu.memory_space<hbm>>
      %dma_start3A_69 = tpu.memref_squeeze %dma_start3A_68 : memref<1x81x128xi32, #tpu.memory_space<hbm>> -> memref<81x128xi32, #tpu.memory_space<hbm>>
      tpu.enqueue_dma source(%dma_start3A_69 : memref<81x128xi32, #tpu.memory_space<hbm>>) target(%arg10 : memref<81x128xi32, #tpu.memory_space<vmem>>) target_semaphore(%run_scoped3A : memref<!tpu.dma_semaphore, #tpu.memory_space<semaphore_mem>>)
      %dma_wait3A = arith.constant 0 : i32
      %dma_wait3A_70 = arith.constant 0 : i32
      %dma_wait3A_71 = tpu.memref_slice %arg6[%add3A, %dma_wait3A, %dma_wait3A_70] : memref<32x81x128xi32, #tpu.memory_space<hbm>> -> memref<1x81x128xi32, #tpu.memory_space<hbm>>
      %dma_wait3A_72 = tpu.memref_squeeze %dma_wait3A_71 : memref<1x81x128xi32, #tpu.memory_space<hbm>> -> memref<81x128xi32, #tpu.memory_space<hbm>>
      %dma_wait3A_73 = arith.constant 0 : i32
      %dma_wait3A_74 = arith.constant 0 : i32
      %dma_wait3A_75 = tpu.memref_slice %arg6[%add3A, %dma_wait3A_73, %dma_wait3A_74] : memref<32x81x128xi32, #tpu.memory_space<hbm>> -> memref<1x81x128xi32, #tpu.memory_space<hbm>>
      %dma_wait3A_76 = tpu.memref_squeeze %dma_wait3A_75 : memref<1x81x128xi32, #tpu.memory_space<hbm>> -> memref<81x128xi32, #tpu.memory_space<hbm>>
      tpu.wait_dma2 semaphore(%run_scoped3A : memref<!tpu.dma_semaphore, #tpu.memory_space<semaphore_mem>>) src(%dma_wait3A_76 : memref<81x128xi32, #tpu.memory_space<hbm>>) dst(%arg10 : memref<81x128xi32, #tpu.memory_space<vmem>>)
      tpu.yield
    }) : () -> ()
    "tpu.region"() ({
      %run_scoped3A = tpu.sem_alloc : memref<!tpu.dma_semaphore, #tpu.memory_space<semaphore_mem>>
      %dma_start3A_62 = arith.constant 0 : i32
      %dma_start3A_63 = tpu.memref_slice %arg2[%mul3A_2, %dma_start3A_62] : memref<20224x16xf32, #tpu.memory_space<hbm>> -> memref<632x16xf32, #tpu.memory_space<hbm>>
      %dma_start3A_64 = arith.constant 0 : i32
      %dma_start3A_65 = tpu.memref_slice %arg2[%mul3A_2, %dma_start3A_64] : memref<20224x16xf32, #tpu.memory_space<hbm>> -> memref<632x16xf32, #tpu.memory_space<hbm>>
      tpu.enqueue_dma source(%dma_start3A_65 : memref<632x16xf32, #tpu.memory_space<hbm>>) target(%arg12 : memref<632x16xf32, #tpu.memory_space<vmem>>) target_semaphore(%run_scoped3A : memref<!tpu.dma_semaphore, #tpu.memory_space<semaphore_mem>>)
      %dma_wait3A = arith.constant 0 : i32
      %dma_wait3A_66 = tpu.memref_slice %arg2[%mul3A_2, %dma_wait3A] : memref<20224x16xf32, #tpu.memory_space<hbm>> -> memref<632x16xf32, #tpu.memory_space<hbm>>
      %dma_wait3A_67 = arith.constant 0 : i32
      %dma_wait3A_68 = tpu.memref_slice %arg2[%mul3A_2, %dma_wait3A_67] : memref<20224x16xf32, #tpu.memory_space<hbm>> -> memref<632x16xf32, #tpu.memory_space<hbm>>
      tpu.wait_dma2 semaphore(%run_scoped3A : memref<!tpu.dma_semaphore, #tpu.memory_space<semaphore_mem>>) src(%dma_wait3A_68 : memref<632x16xf32, #tpu.memory_space<hbm>>) dst(%arg12 : memref<632x16xf32, #tpu.memory_space<vmem>>)
      tpu.yield
    }) : () -> ()
    %add3A_3 = arith.constant 10112 : i32
    %add3A_4 = arith.addi %add3A_3, %mul3A_2 : i32
    "tpu.region"() ({
      %run_scoped3A = tpu.sem_alloc : memref<!tpu.dma_semaphore, #tpu.memory_space<semaphore_mem>>
      %dma_start3A_62 = arith.constant 0 : i32
      %dma_start3A_63 = tpu.memref_slice %arg2[%add3A_4, %dma_start3A_62] : memref<20224x16xf32, #tpu.memory_space<hbm>> -> memref<632x16xf32, #tpu.memory_space<hbm>>
      %dma_start3A_64 = arith.constant 0 : i32
      %dma_start3A_65 = tpu.memref_slice %arg2[%add3A_4, %dma_start3A_64] : memref<20224x16xf32, #tpu.memory_space<hbm>> -> memref<632x16xf32, #tpu.memory_space<hbm>>
      tpu.enqueue_dma source(%dma_start3A_65 : memref<632x16xf32, #tpu.memory_space<hbm>>) target(%arg13 : memref<632x16xf32, #tpu.memory_space<vmem>>) target_semaphore(%run_scoped3A : memref<!tpu.dma_semaphore, #tpu.memory_space<semaphore_mem>>)
      %dma_wait3A = arith.constant 0 : i32
      %dma_wait3A_66 = tpu.memref_slice %arg2[%add3A_4, %dma_wait3A] : memref<20224x16xf32, #tpu.memory_space<hbm>> -> memref<632x16xf32, #tpu.memory_space<hbm>>
      %dma_wait3A_67 = arith.constant 0 : i32
      %dma_wait3A_68 = tpu.memref_slice %arg2[%add3A_4, %dma_wait3A_67] : memref<20224x16xf32, #tpu.memory_space<hbm>> -> memref<632x16xf32, #tpu.memory_space<hbm>>
      tpu.wait_dma2 semaphore(%run_scoped3A : memref<!tpu.dma_semaphore, #tpu.memory_space<semaphore_mem>>) src(%dma_wait3A_68 : memref<632x16xf32, #tpu.memory_space<hbm>>) dst(%arg13 : memref<632x16xf32, #tpu.memory_space<vmem>>)
      tpu.yield
    }) : () -> ()
    %mul3A_5 = arith.constant 10112 : i32
    %mul3A_6 = arith.muli %arg0, %mul3A_5 : i32
    %add3A_7 = arith.addi %mul3A_6, %mul3A_2 : i32
    "tpu.region"() ({
      %run_scoped3A = tpu.sem_alloc : memref<!tpu.dma_semaphore, #tpu.memory_space<semaphore_mem>>
      %dma_start3A_62 = arith.constant 0 : i32
      %dma_start3A_63 = tpu.memref_slice %arg3[%add3A_7, %dma_start3A_62] : memref<20224x16xf32, #tpu.memory_space<hbm>> -> memref<632x16xf32, #tpu.memory_space<hbm>>
      %dma_start3A_64 = arith.constant 0 : i32
      %dma_start3A_65 = tpu.memref_slice %arg3[%add3A_7, %dma_start3A_64] : memref<20224x16xf32, #tpu.memory_space<hbm>> -> memref<632x16xf32, #tpu.memory_space<hbm>>
      tpu.enqueue_dma source(%dma_start3A_65 : memref<632x16xf32, #tpu.memory_space<hbm>>) target(%arg14 : memref<632x16xf32, #tpu.memory_space<vmem>>) target_semaphore(%run_scoped3A : memref<!tpu.dma_semaphore, #tpu.memory_space<semaphore_mem>>)
      %dma_wait3A = arith.constant 0 : i32
      %dma_wait3A_66 = tpu.memref_slice %arg3[%add3A_7, %dma_wait3A] : memref<20224x16xf32, #tpu.memory_space<hbm>> -> memref<632x16xf32, #tpu.memory_space<hbm>>
      %dma_wait3A_67 = arith.constant 0 : i32
      %dma_wait3A_68 = tpu.memref_slice %arg3[%add3A_7, %dma_wait3A_67] : memref<20224x16xf32, #tpu.memory_space<hbm>> -> memref<632x16xf32, #tpu.memory_space<hbm>>
      tpu.wait_dma2 semaphore(%run_scoped3A : memref<!tpu.dma_semaphore, #tpu.memory_space<semaphore_mem>>) src(%dma_wait3A_68 : memref<632x16xf32, #tpu.memory_space<hbm>>) dst(%arg14 : memref<632x16xf32, #tpu.memory_space<vmem>>)
      tpu.yield
    }) : () -> ()
    "tpu.region"() ({
      %run_scoped3A = tpu.sem_alloc : memref<!tpu.dma_semaphore, #tpu.memory_space<semaphore_mem>>
      tpu.enqueue_dma source(%arg4 : memref<1x16xf32, #tpu.memory_space<hbm>>) target(%arg16 : memref<1x16xf32, #tpu.memory_space<vmem>>) target_semaphore(%run_scoped3A : memref<!tpu.dma_semaphore, #tpu.memory_space<semaphore_mem>>)
      tpu.wait_dma2 semaphore(%run_scoped3A : memref<!tpu.dma_semaphore, #tpu.memory_space<semaphore_mem>>) src(%arg4 : memref<1x16xf32, #tpu.memory_space<hbm>>) dst(%arg16 : memref<1x16xf32, #tpu.memory_space<vmem>>)
      tpu.yield
    }) : () -> ()
    "tpu.region"() ({
      %run_scoped3A = tpu.sem_alloc : memref<!tpu.dma_semaphore, #tpu.memory_space<semaphore_mem>>
      %dma_start3A_62 = arith.constant 0 : i32
      %dma_start3A_63 = tpu.memref_slice %arg17[%mul3A_2, %dma_start3A_62] : memref<10112x16xf32, #tpu.memory_space<vmem_shared>> -> memref<632x16xf32, #tpu.memory_space<vmem_shared>>
      %dma_start3A_64 = arith.constant 0 : i32
      %dma_start3A_65 = tpu.memref_slice %arg7[%mul3A_2, %dma_start3A_64] : memref<10112x16xf32, #tpu.memory_space<hbm>> -> memref<632x16xf32, #tpu.memory_space<hbm>>
      tpu.enqueue_dma source(%dma_start3A_65 : memref<632x16xf32, #tpu.memory_space<hbm>>) target(%dma_start3A_63 : memref<632x16xf32, #tpu.memory_space<vmem_shared>>) target_semaphore(%run_scoped3A : memref<!tpu.dma_semaphore, #tpu.memory_space<semaphore_mem>>)
      %dma_wait3A = arith.constant 0 : i32
      %dma_wait3A_66 = tpu.memref_slice %arg17[%mul3A_2, %dma_wait3A] : memref<10112x16xf32, #tpu.memory_space<vmem_shared>> -> memref<632x16xf32, #tpu.memory_space<vmem_shared>>
      %dma_wait3A_67 = arith.constant 0 : i32
      %dma_wait3A_68 = tpu.memref_slice %arg7[%mul3A_2, %dma_wait3A_67] : memref<10112x16xf32, #tpu.memory_space<hbm>> -> memref<632x16xf32, #tpu.memory_space<hbm>>
      tpu.wait_dma2 semaphore(%run_scoped3A : memref<!tpu.dma_semaphore, #tpu.memory_space<semaphore_mem>>) src(%dma_wait3A_68 : memref<632x16xf32, #tpu.memory_space<hbm>>) dst(%dma_wait3A_66 : memref<632x16xf32, #tpu.memory_space<vmem_shared>>)
      tpu.yield
    }) : () -> ()
    %get3A = arith.constant 0 : i32
    %get3A_8 = arith.index_cast %get3A : i32 to index
    %get3A_9 = arith.constant 0 : index
    %get3A_10 = tpu.vector_load %arg16[%get3A_8, %get3A_9] {strides = array<i32>} : memref<1x16xf32, #tpu.memory_space<vmem>>, vector<1x16xf32>,
    %get3A_11 = vector.shape_cast %get3A_10 : vector<1x16xf32> to vector<16xf32>
    %scan3A = arith.constant 0 : i32
    %scan3A_12 = arith.constant 0 : i32
    %scan3A_13 = arith.constant 632 : i32
    %scan3A_14 = arith.addi %scan3A_12, %scan3A_13 : i32
    %scan3A_15 = arith.constant 1 : i32
    scf.for %scan3A_62 = %scan3A_12 to %scan3A_14 step %scan3A_15  : i32 {
      %get3A_63 = arith.index_cast %scan3A_62 : i32 to index
      %get3A_64 = arith.constant 0 : index
      %get3A_65 = tpu.vector_load %arg12[%get3A_63, %get3A_64] {strides = array<i32>} : memref<632x16xf32, #tpu.memory_space<vmem>>, vector<1x16xf32>,
      %get3A_66 = vector.shape_cast %get3A_65 : vector<1x16xf32> to vector<16xf32>
      %get3A_67 = arith.index_cast %scan3A_62 : i32 to index
      %get3A_68 = arith.constant 0 : index
      %get3A_69 = tpu.vector_load %arg13[%get3A_67, %get3A_68] {strides = array<i32>} : memref<632x16xf32, #tpu.memory_space<vmem>>, vector<1x16xf32>,
      %get3A_70 = vector.shape_cast %get3A_69 : vector<1x16xf32> to vector<16xf32>
      %add3A_71 = arith.addf %get3A_66, %get3A_70 : vector<16xf32>
      %get3A_72 = arith.index_cast %scan3A_62 : i32 to index
      %get3A_73 = arith.constant 0 : index
      %get3A_74 = tpu.vector_load %arg14[%get3A_72, %get3A_73] {strides = array<i32>} : memref<632x16xf32, #tpu.memory_space<vmem>>, vector<1x16xf32>,
      %get3A_75 = vector.shape_cast %get3A_74 : vector<1x16xf32> to vector<16xf32>
      %mul3A_76 = arith.mulf %get3A_75, %add3A_71 : vector<16xf32>
      %add3A_77 = arith.addf %mul3A_76, %get3A_11 : vector<16xf32>
      %max3A = arith.constant 0.000000e+00 : f32
      %max3A_78 = vector.broadcast %max3A : f32 to vector<16xf32>
      %max3A_79 = arith.maximumf %add3A_77, %max3A_78 : vector<16xf32>
      %mul3A_80 = arith.mulf %get3A_75, %max3A_79 : vector<16xf32>
      %swap3A = arith.index_cast %scan3A_62 : i32 to index
      %swap3A_81 = arith.constant 0 : index
      %swap3A_82 = tpu.vector_load %arg15[%swap3A, %swap3A_81] {strides = array<i32>} : memref<632x16xf32, #tpu.memory_space<vmem>>, vector<1x16xf32>,
      %swap3A_83 = vector.shape_cast %swap3A_82 : vector<1x16xf32> to vector<16xf32>
      %swap3A_84 = vector.shape_cast %mul3A_80 : vector<16xf32> to vector<1x16xf32>
      tpu.vector_store %arg15[%swap3A, %swap3A_81], %swap3A_84 {strides = array<i32>} : memref<632x16xf32, #tpu.memory_space<vmem>>, vector<1x16xf32>,
    }
    %scan3A_16 = arith.constant 632 : i32
    "tpu.region"() ({
      %run_scoped3A = tpu.sem_alloc : memref<!tpu.dma_semaphore, #tpu.memory_space<semaphore_mem>>
      %dma_start3A_62 = arith.constant 0 : i32
      %dma_start3A_63 = tpu.memref_slice %arg18[%mul3A_2, %dma_start3A_62] : memref<10112x16xf32, #tpu.memory_space<vmem_shared>> -> memref<632x16xf32, #tpu.memory_space<vmem_shared>>
      %dma_start3A_64 = arith.constant 0 : i32
      %dma_start3A_65 = tpu.memref_slice %arg18[%mul3A_2, %dma_start3A_64] : memref<10112x16xf32, #tpu.memory_space<vmem_shared>> -> memref<632x16xf32, #tpu.memory_space<vmem_shared>>
      tpu.enqueue_dma source(%arg15 : memref<632x16xf32, #tpu.memory_space<vmem>>) target(%dma_start3A_65 : memref<632x16xf32, #tpu.memory_space<vmem_shared>>) target_semaphore(%run_scoped3A : memref<!tpu.dma_semaphore, #tpu.memory_space<semaphore_mem>>)
      %dma_wait3A = arith.constant 0 : i32
      %dma_wait3A_66 = tpu.memref_slice %arg18[%mul3A_2, %dma_wait3A] : memref<10112x16xf32, #tpu.memory_space<vmem_shared>> -> memref<632x16xf32, #tpu.memory_space<vmem_shared>>
      %dma_wait3A_67 = arith.constant 0 : i32
      %dma_wait3A_68 = tpu.memref_slice %arg18[%mul3A_2, %dma_wait3A_67] : memref<10112x16xf32, #tpu.memory_space<vmem_shared>> -> memref<632x16xf32, #tpu.memory_space<vmem_shared>>
      tpu.wait_dma2 semaphore(%run_scoped3A : memref<!tpu.dma_semaphore, #tpu.memory_space<semaphore_mem>>) src(%arg15 : memref<632x16xf32, #tpu.memory_space<vmem>>) dst(%dma_wait3A_68 : memref<632x16xf32, #tpu.memory_space<vmem_shared>>)
      tpu.yield
    }) : () -> ()
    %barrier3A = arith.constant 0 : index
    tpu.barrier barrier_id(%barrier3A)
    %dma_start3A = arith.constant 0 : i32
    %dma_start3A_17 = arith.constant 0 : i32
    %dma_start3A_18 = arith.constant 0 : i32
    %dma_start3A_19 = arith.constant 0 : i32
    %dma_start3A_20 = tpu.memref_slice %arg11[%dma_start3A_17, %dma_start3A_18, %dma_start3A_19] : memref<3x128x16xf32, #tpu.memory_space<vmem>> -> memref<1x128x16xf32, #tpu.memory_space<vmem>>
    %dma_start3A_21 = tpu.memref_squeeze %dma_start3A_20 : memref<1x128x16xf32, #tpu.memory_space<vmem>> -> memref<128x16xf32, #tpu.memory_space<vmem>>
    %dma_start3A_22 = arith.constant 0 : i32
    %dma_start3A_23 = tpu.memref_slice %arg9[%dma_start3A, %dma_start3A_22] : memref<81x128xi32, #tpu.memory_space<vmem>> -> memref<1x128xi32, #tpu.memory_space<vmem>>
    %dma_start3A_24 = tpu.memref_squeeze %dma_start3A_23 : memref<1x128xi32, #tpu.memory_space<vmem>> -> memref<128xi32, #tpu.memory_space<vmem>>
    %dma_start3A_25 = arith.constant 0 : i32
    %dma_start3A_26 = arith.constant 0 : i32
    %dma_start3A_27 = tpu.memref_slice %arg18[%dma_start3A_25, %dma_start3A_26] : memref<10112x16xf32, #tpu.memory_space<vmem_shared>> -> memref<10112x16xf32, #tpu.memory_space<vmem_shared>>
    tpu.enqueue_indirect_dma source(%dma_start3A_27 : memref<10112x16xf32, #tpu.memory_space<vmem_shared>>) target(%dma_start3A_21 : memref<128x16xf32, #tpu.memory_space<vmem>>) offsets(%dma_start3A_24 : memref<128xi32, #tpu.memory_space<vmem>>) semaphore(%arg19 : memref<!tpu.dma_semaphore, #tpu.memory_space<semaphore_mem>>)
    %dma_start3A_28 = arith.constant 1 : i32
    %dma_start3A_29 = arith.constant 1 : i32
    %dma_start3A_30 = arith.constant 0 : i32
    %dma_start3A_31 = arith.constant 0 : i32
    %dma_start3A_32 = tpu.memref_slice %arg11[%dma_start3A_29, %dma_start3A_30, %dma_start3A_31] : memref<3x128x16xf32, #tpu.memory_space<vmem>> -> memref<1x128x16xf32, #tpu.memory_space<vmem>>
    %dma_start3A_33 = tpu.memref_squeeze %dma_start3A_32 : memref<1x128x16xf32, #tpu.memory_space<vmem>> -> memref<128x16xf32, #tpu.memory_space<vmem>>
    %dma_start3A_34 = arith.constant 0 : i32
    %dma_start3A_35 = tpu.memref_slice %arg9[%dma_start3A_28, %dma_start3A_34] : memref<81x128xi32, #tpu.memory_space<vmem>> -> memref<1x128xi32, #tpu.memory_space<vmem>>
    %dma_start3A_36 = tpu.memref_squeeze %dma_start3A_35 : memref<1x128xi32, #tpu.memory_space<vmem>> -> memref<128xi32, #tpu.memory_space<vmem>>
    %dma_start3A_37 = arith.constant 0 : i32
    %dma_start3A_38 = arith.constant 0 : i32
    %dma_start3A_39 = tpu.memref_slice %arg18[%dma_start3A_37, %dma_start3A_38] : memref<10112x16xf32, #tpu.memory_space<vmem_shared>> -> memref<10112x16xf32, #tpu.memory_space<vmem_shared>>
    tpu.enqueue_indirect_dma source(%dma_start3A_39 : memref<10112x16xf32, #tpu.memory_space<vmem_shared>>) target(%dma_start3A_33 : memref<128x16xf32, #tpu.memory_space<vmem>>) offsets(%dma_start3A_36 : memref<128xi32, #tpu.memory_space<vmem>>) semaphore(%arg20 : memref<!tpu.dma_semaphore, #tpu.memory_space<semaphore_mem>>)
    %dma_start3A_40 = arith.constant 2 : i32
    %dma_start3A_41 = arith.constant 2 : i32
    %dma_start3A_42 = arith.constant 0 : i32
    %dma_start3A_43 = arith.constant 0 : i32
    %dma_start3A_44 = tpu.memref_slice %arg11[%dma_start3A_41, %dma_start3A_42, %dma_start3A_43] : memref<3x128x16xf32, #tpu.memory_space<vmem>> -> memref<1x128x16xf32, #tpu.memory_space<vmem>>
    %dma_start3A_45 = tpu.memref_squeeze %dma_start3A_44 : memref<1x128x16xf32, #tpu.memory_space<vmem>> -> memref<128x16xf32, #tpu.memory_space<vmem>>
    %dma_start3A_46 = arith.constant 0 : i32
    %dma_start3A_47 = tpu.memref_slice %arg9[%dma_start3A_40, %dma_start3A_46] : memref<81x128xi32, #tpu.memory_space<vmem>> -> memref<1x128xi32, #tpu.memory_space<vmem>>
    %dma_start3A_48 = tpu.memref_squeeze %dma_start3A_47 : memref<1x128xi32, #tpu.memory_space<vmem>> -> memref<128xi32, #tpu.memory_space<vmem>>
    %dma_start3A_49 = arith.constant 0 : i32
    %dma_start3A_50 = arith.constant 0 : i32
    %dma_start3A_51 = tpu.memref_slice %arg18[%dma_start3A_49, %dma_start3A_50] : memref<10112x16xf32, #tpu.memory_space<vmem_shared>> -> memref<10112x16xf32, #tpu.memory_space<vmem_shared>>
    tpu.enqueue_indirect_dma source(%dma_start3A_51 : memref<10112x16xf32, #tpu.memory_space<vmem_shared>>) target(%dma_start3A_45 : memref<128x16xf32, #tpu.memory_space<vmem>>) offsets(%dma_start3A_48 : memref<128xi32, #tpu.memory_space<vmem>>) semaphore(%arg21 : memref<!tpu.dma_semaphore, #tpu.memory_space<semaphore_mem>>)
    %scan3A_52 = arith.constant 0 : i32
    %scan3A_53 = arith.constant 0 : i32
    %scan3A_54 = arith.constant 27 : i32
    %scan3A_55 = arith.addi %scan3A_53, %scan3A_54 : i32
    %scan3A_56 = arith.constant 1 : i32
    scf.for %scan3A_62 = %scan3A_53 to %scan3A_55 step %scan3A_56  : i32 {
      %mul3A_63 = arith.constant 3 : i32
      %mul3A_64 = arith.muli %mul3A_63, %scan3A_62 : i32
      %add3A_65 = arith.constant 0 : i32
      %add3A_66 = arith.addi %mul3A_64, %add3A_65 : i32
      %dma_wait3A = arith.constant 0 : i32
      %dma_wait3A_67 = arith.constant 0 : i32
      %dma_wait3A_68 = arith.constant 0 : i32
      %dma_wait3A_69 = arith.constant 0 : i32
      %dma_wait3A_70 = tpu.memref_slice %arg11[%dma_wait3A_67, %dma_wait3A_68, %dma_wait3A_69] : memref<3x128x16xf32, #tpu.memory_space<vmem>> -> memref<1x128x16xf32, #tpu.memory_space<vmem>>
      %dma_wait3A_71 = tpu.memref_squeeze %dma_wait3A_70 : memref<1x128x16xf32, #tpu.memory_space<vmem>> -> memref<128x16xf32, #tpu.memory_space<vmem>>
      %dma_wait3A_72 = arith.constant 0 : i32
      %dma_wait3A_73 = tpu.memref_slice %arg9[%dma_wait3A, %dma_wait3A_72] : memref<81x128xi32, #tpu.memory_space<vmem>> -> memref<1x128xi32, #tpu.memory_space<vmem>>
      %dma_wait3A_74 = tpu.memref_squeeze %dma_wait3A_73 : memref<1x128xi32, #tpu.memory_space<vmem>> -> memref<128xi32, #tpu.memory_space<vmem>>
      %dma_wait3A_75 = arith.constant 0 : i32
      %dma_wait3A_76 = arith.constant 0 : i32
      %dma_wait3A_77 = tpu.memref_slice %arg18[%dma_wait3A_75, %dma_wait3A_76] : memref<10112x16xf32, #tpu.memory_space<vmem_shared>> -> memref<10112x16xf32, #tpu.memory_space<vmem_shared>>
      tpu.wait_indirect_dma semaphore(%arg19 : memref<!tpu.dma_semaphore, #tpu.memory_space<semaphore_mem>>) src(%dma_wait3A_77 : memref<10112x16xf32, #tpu.memory_space<vmem_shared>>) dst(%dma_wait3A_71 : memref<128x16xf32, #tpu.memory_space<vmem>>)
      %run_scoped3A = arith.constant 0 : i32
      "tpu.region"() ({
        %run_scoped3A_130 = tpu.sem_alloc : memref<!tpu.dma_semaphore, #tpu.memory_space<semaphore_mem>>
        %dma_start3A_131 = arith.constant 0 : i32
        %dma_start3A_132 = arith.constant 0 : i32
        %dma_start3A_133 = tpu.memref_slice %arg11[%run_scoped3A, %dma_start3A_131, %dma_start3A_132] : memref<3x128x16xf32, #tpu.memory_space<vmem>> -> memref<1x128x16xf32, #tpu.memory_space<vmem>>
        %dma_start3A_134 = tpu.memref_squeeze %dma_start3A_133 : memref<1x128x16xf32, #tpu.memory_space<vmem>> -> memref<128x16xf32, #tpu.memory_space<vmem>>
        %dma_start3A_135 = arith.constant 0 : i32
        %dma_start3A_136 = tpu.memref_slice %arg10[%add3A_66, %dma_start3A_135] : memref<81x128xi32, #tpu.memory_space<vmem>> -> memref<1x128xi32, #tpu.memory_space<vmem>>
        %dma_start3A_137 = tpu.memref_squeeze %dma_start3A_136 : memref<1x128xi32, #tpu.memory_space<vmem>> -> memref<128xi32, #tpu.memory_space<vmem>>
        %dma_start3A_138 = arith.constant 0 : i32
        %dma_start3A_139 = arith.constant 0 : i32
        %dma_start3A_140 = tpu.memref_slice %arg17[%dma_start3A_138, %dma_start3A_139] : memref<10112x16xf32, #tpu.memory_space<vmem_shared>> -> memref<10112x16xf32, #tpu.memory_space<vmem_shared>>
        tpu.enqueue_indirect_dma source(%dma_start3A_134 : memref<128x16xf32, #tpu.memory_space<vmem>>) target(%dma_start3A_140 : memref<10112x16xf32, #tpu.memory_space<vmem_shared>>) offsets(%dma_start3A_137 : memref<128xi32, #tpu.memory_space<vmem>>) semaphore(%run_scoped3A_130 : memref<!tpu.dma_semaphore, #tpu.memory_space<semaphore_mem>>) {add = true}
        %dma_wait3A_141 = arith.constant 0 : i32
        %dma_wait3A_142 = arith.constant 0 : i32
        %dma_wait3A_143 = tpu.memref_slice %arg11[%run_scoped3A, %dma_wait3A_141, %dma_wait3A_142] : memref<3x128x16xf32, #tpu.memory_space<vmem>> -> memref<1x128x16xf32, #tpu.memory_space<vmem>>
        %dma_wait3A_144 = tpu.memref_squeeze %dma_wait3A_143 : memref<1x128x16xf32, #tpu.memory_space<vmem>> -> memref<128x16xf32, #tpu.memory_space<vmem>>
        %dma_wait3A_145 = arith.constant 0 : i32
        %dma_wait3A_146 = tpu.memref_slice %arg10[%add3A_66, %dma_wait3A_145] : memref<81x128xi32, #tpu.memory_space<vmem>> -> memref<1x128xi32, #tpu.memory_space<vmem>>
        %dma_wait3A_147 = tpu.memref_squeeze %dma_wait3A_146 : memref<1x128xi32, #tpu.memory_space<vmem>> -> memref<128xi32, #tpu.memory_space<vmem>>
        %dma_wait3A_148 = arith.constant 0 : i32
        %dma_wait3A_149 = arith.constant 0 : i32
        %dma_wait3A_150 = tpu.memref_slice %arg17[%dma_wait3A_148, %dma_wait3A_149] : memref<10112x16xf32, #tpu.memory_space<vmem_shared>> -> memref<10112x16xf32, #tpu.memory_space<vmem_shared>>
        tpu.wait_indirect_dma semaphore(%run_scoped3A_130 : memref<!tpu.dma_semaphore, #tpu.memory_space<semaphore_mem>>) src(%dma_wait3A_144 : memref<128x16xf32, #tpu.memory_space<vmem>>) dst(%dma_wait3A_150 : memref<10112x16xf32, #tpu.memory_space<vmem_shared>>)
        tpu.yield
      }) : () -> ()
      %add3A_78 = arith.constant 3 : i32
      %add3A_79 = arith.addi %add3A_66, %add3A_78 : i32
      %lt3A = arith.constant 81 : i32
      %lt3A_80 = arith.cmpi slt, %add3A_79, %lt3A : i32
      %convert_element_type3A = arith.extui %lt3A_80 : i1 to i32
      %cond3A = arith.constant 0 : i32
      %cond3A_81 = arith.cmpi ne, %convert_element_type3A, %cond3A : i32
      scf.if %cond3A_81 {
        %dma_start3A_130 = arith.constant 0 : i32
        %dma_start3A_131 = arith.constant 0 : i32
        %dma_start3A_132 = arith.constant 0 : i32
        %dma_start3A_133 = tpu.memref_slice %arg11[%dma_start3A_130, %dma_start3A_131, %dma_start3A_132] : memref<3x128x16xf32, #tpu.memory_space<vmem>> -> memref<1x128x16xf32, #tpu.memory_space<vmem>>
        %dma_start3A_134 = tpu.memref_squeeze %dma_start3A_133 : memref<1x128x16xf32, #tpu.memory_space<vmem>> -> memref<128x16xf32, #tpu.memory_space<vmem>>
        %dma_start3A_135 = arith.constant 0 : i32
        %dma_start3A_136 = tpu.memref_slice %arg9[%add3A_79, %dma_start3A_135] : memref<81x128xi32, #tpu.memory_space<vmem>> -> memref<1x128xi32, #tpu.memory_space<vmem>>
        %dma_start3A_137 = tpu.memref_squeeze %dma_start3A_136 : memref<1x128xi32, #tpu.memory_space<vmem>> -> memref<128xi32, #tpu.memory_space<vmem>>
        %dma_start3A_138 = arith.constant 0 : i32
        %dma_start3A_139 = arith.constant 0 : i32
        %dma_start3A_140 = tpu.memref_slice %arg18[%dma_start3A_138, %dma_start3A_139] : memref<10112x16xf32, #tpu.memory_space<vmem_shared>> -> memref<10112x16xf32, #tpu.memory_space<vmem_shared>>
        tpu.enqueue_indirect_dma source(%dma_start3A_140 : memref<10112x16xf32, #tpu.memory_space<vmem_shared>>) target(%dma_start3A_134 : memref<128x16xf32, #tpu.memory_space<vmem>>) offsets(%dma_start3A_137 : memref<128xi32, #tpu.memory_space<vmem>>) semaphore(%arg19 : memref<!tpu.dma_semaphore, #tpu.memory_space<semaphore_mem>>)
      } else {
      }
      %mul3A_82 = arith.constant 3 : i32
      %mul3A_83 = arith.muli %mul3A_82, %scan3A_62 : i32
      %add3A_84 = arith.constant 1 : i32
      %add3A_85 = arith.addi %mul3A_83, %add3A_84 : i32
      %dma_wait3A_86 = arith.constant 1 : i32
      %dma_wait3A_87 = arith.constant 1 : i32
      %dma_wait3A_88 = arith.constant 0 : i32
      %dma_wait3A_89 = arith.constant 0 : i32
      %dma_wait3A_90 = tpu.memref_slice %arg11[%dma_wait3A_87, %dma_wait3A_88, %dma_wait3A_89] : memref<3x128x16xf32, #tpu.memory_space<vmem>> -> memref<1x128x16xf32, #tpu.memory_space<vmem>>
      %dma_wait3A_91 = tpu.memref_squeeze %dma_wait3A_90 : memref<1x128x16xf32, #tpu.memory_space<vmem>> -> memref<128x16xf32, #tpu.memory_space<vmem>>
      %dma_wait3A_92 = arith.constant 0 : i32
      %dma_wait3A_93 = tpu.memref_slice %arg9[%dma_wait3A_86, %dma_wait3A_92] : memref<81x128xi32, #tpu.memory_space<vmem>> -> memref<1x128xi32, #tpu.memory_space<vmem>>
      %dma_wait3A_94 = tpu.memref_squeeze %dma_wait3A_93 : memref<1x128xi32, #tpu.memory_space<vmem>> -> memref<128xi32, #tpu.memory_space<vmem>>
      %dma_wait3A_95 = arith.constant 0 : i32
      %dma_wait3A_96 = arith.constant 0 : i32
      %dma_wait3A_97 = tpu.memref_slice %arg18[%dma_wait3A_95, %dma_wait3A_96] : memref<10112x16xf32, #tpu.memory_space<vmem_shared>> -> memref<10112x16xf32, #tpu.memory_space<vmem_shared>>
      tpu.wait_indirect_dma semaphore(%arg20 : memref<!tpu.dma_semaphore, #tpu.memory_space<semaphore_mem>>) src(%dma_wait3A_97 : memref<10112x16xf32, #tpu.memory_space<vmem_shared>>) dst(%dma_wait3A_91 : memref<128x16xf32, #tpu.memory_space<vmem>>)
      %run_scoped3A_98 = arith.constant 1 : i32
      "tpu.region"() ({
        %run_scoped3A_130 = tpu.sem_alloc : memref<!tpu.dma_semaphore, #tpu.memory_space<semaphore_mem>>
        %dma_start3A_131 = arith.constant 0 : i32
        %dma_start3A_132 = arith.constant 0 : i32
        %dma_start3A_133 = tpu.memref_slice %arg11[%run_scoped3A_98, %dma_start3A_131, %dma_start3A_132] : memref<3x128x16xf32, #tpu.memory_space<vmem>> -> memref<1x128x16xf32, #tpu.memory_space<vmem>>
        %dma_start3A_134 = tpu.memref_squeeze %dma_start3A_133 : memref<1x128x16xf32, #tpu.memory_space<vmem>> -> memref<128x16xf32, #tpu.memory_space<vmem>>
        %dma_start3A_135 = arith.constant 0 : i32
        %dma_start3A_136 = tpu.memref_slice %arg10[%add3A_85, %dma_start3A_135] : memref<81x128xi32, #tpu.memory_space<vmem>> -> memref<1x128xi32, #tpu.memory_space<vmem>>
        %dma_start3A_137 = tpu.memref_squeeze %dma_start3A_136 : memref<1x128xi32, #tpu.memory_space<vmem>> -> memref<128xi32, #tpu.memory_space<vmem>>
        %dma_start3A_138 = arith.constant 0 : i32
        %dma_start3A_139 = arith.constant 0 : i32
        %dma_start3A_140 = tpu.memref_slice %arg17[%dma_start3A_138, %dma_start3A_139] : memref<10112x16xf32, #tpu.memory_space<vmem_shared>> -> memref<10112x16xf32, #tpu.memory_space<vmem_shared>>
        tpu.enqueue_indirect_dma source(%dma_start3A_134 : memref<128x16xf32, #tpu.memory_space<vmem>>) target(%dma_start3A_140 : memref<10112x16xf32, #tpu.memory_space<vmem_shared>>) offsets(%dma_start3A_137 : memref<128xi32, #tpu.memory_space<vmem>>) semaphore(%run_scoped3A_130 : memref<!tpu.dma_semaphore, #tpu.memory_space<semaphore_mem>>) {add = true}
        %dma_wait3A_141 = arith.constant 0 : i32
        %dma_wait3A_142 = arith.constant 0 : i32
        %dma_wait3A_143 = tpu.memref_slice %arg11[%run_scoped3A_98, %dma_wait3A_141, %dma_wait3A_142] : memref<3x128x16xf32, #tpu.memory_space<vmem>> -> memref<1x128x16xf32, #tpu.memory_space<vmem>>
        %dma_wait3A_144 = tpu.memref_squeeze %dma_wait3A_143 : memref<1x128x16xf32, #tpu.memory_space<vmem>> -> memref<128x16xf32, #tpu.memory_space<vmem>>
        %dma_wait3A_145 = arith.constant 0 : i32
        %dma_wait3A_146 = tpu.memref_slice %arg10[%add3A_85, %dma_wait3A_145] : memref<81x128xi32, #tpu.memory_space<vmem>> -> memref<1x128xi32, #tpu.memory_space<vmem>>
        %dma_wait3A_147 = tpu.memref_squeeze %dma_wait3A_146 : memref<1x128xi32, #tpu.memory_space<vmem>> -> memref<128xi32, #tpu.memory_space<vmem>>
        %dma_wait3A_148 = arith.constant 0 : i32
        %dma_wait3A_149 = arith.constant 0 : i32
        %dma_wait3A_150 = tpu.memref_slice %arg17[%dma_wait3A_148, %dma_wait3A_149] : memref<10112x16xf32, #tpu.memory_space<vmem_shared>> -> memref<10112x16xf32, #tpu.memory_space<vmem_shared>>
        tpu.wait_indirect_dma semaphore(%run_scoped3A_130 : memref<!tpu.dma_semaphore, #tpu.memory_space<semaphore_mem>>) src(%dma_wait3A_144 : memref<128x16xf32, #tpu.memory_space<vmem>>) dst(%dma_wait3A_150 : memref<10112x16xf32, #tpu.memory_space<vmem_shared>>)
        tpu.yield
      }) : () -> ()
      %add3A_99 = arith.constant 3 : i32
      %add3A_100 = arith.addi %add3A_85, %add3A_99 : i32
      %lt3A_101 = arith.constant 81 : i32
      %lt3A_102 = arith.cmpi slt, %add3A_100, %lt3A_101 : i32
      %convert_element_type3A_103 = arith.extui %lt3A_102 : i1 to i32
      %cond3A_104 = arith.constant 0 : i32
      %cond3A_105 = arith.cmpi ne, %convert_element_type3A_103, %cond3A_104 : i32
      scf.if %cond3A_105 {
        %dma_start3A_130 = arith.constant 1 : i32
        %dma_start3A_131 = arith.constant 0 : i32
        %dma_start3A_132 = arith.constant 0 : i32
        %dma_start3A_133 = tpu.memref_slice %arg11[%dma_start3A_130, %dma_start3A_131, %dma_start3A_132] : memref<3x128x16xf32, #tpu.memory_space<vmem>> -> memref<1x128x16xf32, #tpu.memory_space<vmem>>
        %dma_start3A_134 = tpu.memref_squeeze %dma_start3A_133 : memref<1x128x16xf32, #tpu.memory_space<vmem>> -> memref<128x16xf32, #tpu.memory_space<vmem>>
        %dma_start3A_135 = arith.constant 0 : i32
        %dma_start3A_136 = tpu.memref_slice %arg9[%add3A_100, %dma_start3A_135] : memref<81x128xi32, #tpu.memory_space<vmem>> -> memref<1x128xi32, #tpu.memory_space<vmem>>
        %dma_start3A_137 = tpu.memref_squeeze %dma_start3A_136 : memref<1x128xi32, #tpu.memory_space<vmem>> -> memref<128xi32, #tpu.memory_space<vmem>>
        %dma_start3A_138 = arith.constant 0 : i32
        %dma_start3A_139 = arith.constant 0 : i32
        %dma_start3A_140 = tpu.memref_slice %arg18[%dma_start3A_138, %dma_start3A_139] : memref<10112x16xf32, #tpu.memory_space<vmem_shared>> -> memref<10112x16xf32, #tpu.memory_space<vmem_shared>>
        tpu.enqueue_indirect_dma source(%dma_start3A_140 : memref<10112x16xf32, #tpu.memory_space<vmem_shared>>) target(%dma_start3A_134 : memref<128x16xf32, #tpu.memory_space<vmem>>) offsets(%dma_start3A_137 : memref<128xi32, #tpu.memory_space<vmem>>) semaphore(%arg20 : memref<!tpu.dma_semaphore, #tpu.memory_space<semaphore_mem>>)
      } else {
      }
      %mul3A_106 = arith.constant 3 : i32
      %mul3A_107 = arith.muli %mul3A_106, %scan3A_62 : i32
      %add3A_108 = arith.constant 2 : i32
      %add3A_109 = arith.addi %mul3A_107, %add3A_108 : i32
      %dma_wait3A_110 = arith.constant 2 : i32
      %dma_wait3A_111 = arith.constant 2 : i32
      %dma_wait3A_112 = arith.constant 0 : i32
      %dma_wait3A_113 = arith.constant 0 : i32
      %dma_wait3A_114 = tpu.memref_slice %arg11[%dma_wait3A_111, %dma_wait3A_112, %dma_wait3A_113] : memref<3x128x16xf32, #tpu.memory_space<vmem>> -> memref<1x128x16xf32, #tpu.memory_space<vmem>>
      %dma_wait3A_115 = tpu.memref_squeeze %dma_wait3A_114 : memref<1x128x16xf32, #tpu.memory_space<vmem>> -> memref<128x16xf32, #tpu.memory_space<vmem>>
      %dma_wait3A_116 = arith.constant 0 : i32
      %dma_wait3A_117 = tpu.memref_slice %arg9[%dma_wait3A_110, %dma_wait3A_116] : memref<81x128xi32, #tpu.memory_space<vmem>> -> memref<1x128xi32, #tpu.memory_space<vmem>>
      %dma_wait3A_118 = tpu.memref_squeeze %dma_wait3A_117 : memref<1x128xi32, #tpu.memory_space<vmem>> -> memref<128xi32, #tpu.memory_space<vmem>>
      %dma_wait3A_119 = arith.constant 0 : i32
      %dma_wait3A_120 = arith.constant 0 : i32
      %dma_wait3A_121 = tpu.memref_slice %arg18[%dma_wait3A_119, %dma_wait3A_120] : memref<10112x16xf32, #tpu.memory_space<vmem_shared>> -> memref<10112x16xf32, #tpu.memory_space<vmem_shared>>
      tpu.wait_indirect_dma semaphore(%arg21 : memref<!tpu.dma_semaphore, #tpu.memory_space<semaphore_mem>>) src(%dma_wait3A_121 : memref<10112x16xf32, #tpu.memory_space<vmem_shared>>) dst(%dma_wait3A_115 : memref<128x16xf32, #tpu.memory_space<vmem>>)
      %run_scoped3A_122 = arith.constant 2 : i32
      "tpu.region"() ({
        %run_scoped3A_130 = tpu.sem_alloc : memref<!tpu.dma_semaphore, #tpu.memory_space<semaphore_mem>>
        %dma_start3A_131 = arith.constant 0 : i32
        %dma_start3A_132 = arith.constant 0 : i32
        %dma_start3A_133 = tpu.memref_slice %arg11[%run_scoped3A_122, %dma_start3A_131, %dma_start3A_132] : memref<3x128x16xf32, #tpu.memory_space<vmem>> -> memref<1x128x16xf32, #tpu.memory_space<vmem>>
        %dma_start3A_134 = tpu.memref_squeeze %dma_start3A_133 : memref<1x128x16xf32, #tpu.memory_space<vmem>> -> memref<128x16xf32, #tpu.memory_space<vmem>>
        %dma_start3A_135 = arith.constant 0 : i32
        %dma_start3A_136 = tpu.memref_slice %arg10[%add3A_109, %dma_start3A_135] : memref<81x128xi32, #tpu.memory_space<vmem>> -> memref<1x128xi32, #tpu.memory_space<vmem>>
        %dma_start3A_137 = tpu.memref_squeeze %dma_start3A_136 : memref<1x128xi32, #tpu.memory_space<vmem>> -> memref<128xi32, #tpu.memory_space<vmem>>
        %dma_start3A_138 = arith.constant 0 : i32
        %dma_start3A_139 = arith.constant 0 : i32
        %dma_start3A_140 = tpu.memref_slice %arg17[%dma_start3A_138, %dma_start3A_139] : memref<10112x16xf32, #tpu.memory_space<vmem_shared>> -> memref<10112x16xf32, #tpu.memory_space<vmem_shared>>
        tpu.enqueue_indirect_dma source(%dma_start3A_134 : memref<128x16xf32, #tpu.memory_space<vmem>>) target(%dma_start3A_140 : memref<10112x16xf32, #tpu.memory_space<vmem_shared>>) offsets(%dma_start3A_137 : memref<128xi32, #tpu.memory_space<vmem>>) semaphore(%run_scoped3A_130 : memref<!tpu.dma_semaphore, #tpu.memory_space<semaphore_mem>>) {add = true}
        %dma_wait3A_141 = arith.constant 0 : i32
        %dma_wait3A_142 = arith.constant 0 : i32
        %dma_wait3A_143 = tpu.memref_slice %arg11[%run_scoped3A_122, %dma_wait3A_141, %dma_wait3A_142] : memref<3x128x16xf32, #tpu.memory_space<vmem>> -> memref<1x128x16xf32, #tpu.memory_space<vmem>>
        %dma_wait3A_144 = tpu.memref_squeeze %dma_wait3A_143 : memref<1x128x16xf32, #tpu.memory_space<vmem>> -> memref<128x16xf32, #tpu.memory_space<vmem>>
        %dma_wait3A_145 = arith.constant 0 : i32
        %dma_wait3A_146 = tpu.memref_slice %arg10[%add3A_109, %dma_wait3A_145] : memref<81x128xi32, #tpu.memory_space<vmem>> -> memref<1x128xi32, #tpu.memory_space<vmem>>
        %dma_wait3A_147 = tpu.memref_squeeze %dma_wait3A_146 : memref<1x128xi32, #tpu.memory_space<vmem>> -> memref<128xi32, #tpu.memory_space<vmem>>
        %dma_wait3A_148 = arith.constant 0 : i32
        %dma_wait3A_149 = arith.constant 0 : i32
        %dma_wait3A_150 = tpu.memref_slice %arg17[%dma_wait3A_148, %dma_wait3A_149] : memref<10112x16xf32, #tpu.memory_space<vmem_shared>> -> memref<10112x16xf32, #tpu.memory_space<vmem_shared>>
        tpu.wait_indirect_dma semaphore(%run_scoped3A_130 : memref<!tpu.dma_semaphore, #tpu.memory_space<semaphore_mem>>) src(%dma_wait3A_144 : memref<128x16xf32, #tpu.memory_space<vmem>>) dst(%dma_wait3A_150 : memref<10112x16xf32, #tpu.memory_space<vmem_shared>>)
        tpu.yield
      }) : () -> ()
      %add3A_123 = arith.constant 3 : i32
      %add3A_124 = arith.addi %add3A_109, %add3A_123 : i32
      %lt3A_125 = arith.constant 81 : i32
      %lt3A_126 = arith.cmpi slt, %add3A_124, %lt3A_125 : i32
      %convert_element_type3A_127 = arith.extui %lt3A_126 : i1 to i32
      %cond3A_128 = arith.constant 0 : i32
      %cond3A_129 = arith.cmpi ne, %convert_element_type3A_127, %cond3A_128 : i32
      scf.if %cond3A_129 {
        %dma_start3A_130 = arith.constant 2 : i32
        %dma_start3A_131 = arith.constant 0 : i32
        %dma_start3A_132 = arith.constant 0 : i32
        %dma_start3A_133 = tpu.memref_slice %arg11[%dma_start3A_130, %dma_start3A_131, %dma_start3A_132] : memref<3x128x16xf32, #tpu.memory_space<vmem>> -> memref<1x128x16xf32, #tpu.memory_space<vmem>>
        %dma_start3A_134 = tpu.memref_squeeze %dma_start3A_133 : memref<1x128x16xf32, #tpu.memory_space<vmem>> -> memref<128x16xf32, #tpu.memory_space<vmem>>
        %dma_start3A_135 = arith.constant 0 : i32
        %dma_start3A_136 = tpu.memref_slice %arg9[%add3A_124, %dma_start3A_135] : memref<81x128xi32, #tpu.memory_space<vmem>> -> memref<1x128xi32, #tpu.memory_space<vmem>>
        %dma_start3A_137 = tpu.memref_squeeze %dma_start3A_136 : memref<1x128xi32, #tpu.memory_space<vmem>> -> memref<128xi32, #tpu.memory_space<vmem>>
        %dma_start3A_138 = arith.constant 0 : i32
        %dma_start3A_139 = arith.constant 0 : i32
        %dma_start3A_140 = tpu.memref_slice %arg18[%dma_start3A_138, %dma_start3A_139] : memref<10112x16xf32, #tpu.memory_space<vmem_shared>> -> memref<10112x16xf32, #tpu.memory_space<vmem_shared>>
        tpu.enqueue_indirect_dma source(%dma_start3A_140 : memref<10112x16xf32, #tpu.memory_space<vmem_shared>>) target(%dma_start3A_134 : memref<128x16xf32, #tpu.memory_space<vmem>>) offsets(%dma_start3A_137 : memref<128xi32, #tpu.memory_space<vmem>>) semaphore(%arg21 : memref<!tpu.dma_semaphore, #tpu.memory_space<semaphore_mem>>)
      } else {
      }
    }
    %scan3A_57 = arith.constant 27 : i32
    %barrier3A_58 = arith.constant 0 : index
    tpu.barrier barrier_id(%barrier3A_58)
    %mul3A_59 = arith.constant 10112 : i32
    %mul3A_60 = arith.muli %arg0, %mul3A_59 : i32
    %add3A_61 = arith.addi %mul3A_60, %mul3A_2 : i32
    "tpu.region"() ({
      %run_scoped3A = tpu.sem_alloc : memref<!tpu.dma_semaphore, #tpu.memory_space<semaphore_mem>>
      %dma_start3A_62 = arith.constant 0 : i32
      %dma_start3A_63 = tpu.memref_slice %arg8[%add3A_61, %dma_start3A_62] : memref<20224x16xf32, #tpu.memory_space<hbm>> -> memref<632x16xf32, #tpu.memory_space<hbm>>
      %dma_start3A_64 = arith.constant 0 : i32
      %dma_start3A_65 = tpu.memref_slice %arg17[%mul3A_2, %dma_start3A_64] : memref<10112x16xf32, #tpu.memory_space<vmem_shared>> -> memref<632x16xf32, #tpu.memory_space<vmem_shared>>
      tpu.enqueue_dma source(%dma_start3A_65 : memref<632x16xf32, #tpu.memory_space<vmem_shared>>) target(%dma_start3A_63 : memref<632x16xf32, #tpu.memory_space<hbm>>) target_semaphore(%run_scoped3A : memref<!tpu.dma_semaphore, #tpu.memory_space<semaphore_mem>>)
      %dma_wait3A = arith.constant 0 : i32
      %dma_wait3A_66 = tpu.memref_slice %arg8[%add3A_61, %dma_wait3A] : memref<20224x16xf32, #tpu.memory_space<hbm>> -> memref<632x16xf32, #tpu.memory_space<hbm>>
      %dma_wait3A_67 = arith.constant 0 : i32
      %dma_wait3A_68 = tpu.memref_slice %arg17[%mul3A_2, %dma_wait3A_67] : memref<10112x16xf32, #tpu.memory_space<vmem_shared>> -> memref<632x16xf32, #tpu.memory_space<vmem_shared>>
      tpu.wait_dma2 semaphore(%run_scoped3A : memref<!tpu.dma_semaphore, #tpu.memory_space<semaphore_mem>>) src(%dma_wait3A_68 : memref<632x16xf32, #tpu.memory_space<vmem_shared>>) dst(%dma_wait3A_66 : memref<632x16xf32, #tpu.memory_space<hbm>>)
      tpu.yield
    }) : () -> ()
    return
  }
}

module attributes {stable_mosaic.version = 14 : i64} {
  func.func @_mm1_body(%arg0: memref<10000x128xf32, #tpu.memory_space<vmem>>, %arg1: memref<128x16xf32, #tpu.memory_space<vmem>>, %arg2: memref<10112x16xf32, #tpu.memory_space<vmem>>) attributes {dimension_semantics = [], scalar_prefetch = 0 : i64, scratch_operands = 0 : i64, tpu.core_type = #tpu.core_type<tc>} {
    %get3A = arith.constant 0 : index
    %get3A_0 = arith.constant 0 : index
    %get3A_1 = vector.load %arg0[%get3A, %get3A_0] : memref<10000x128xf32, #tpu.memory_space<vmem>>, vector<10000x128xf32>
    %get3A_2 = arith.constant 0 : index
    %get3A_3 = arith.constant 0 : index
    %get3A_4 = vector.load %arg1[%get3A_2, %get3A_3] : memref<128x16xf32, #tpu.memory_space<vmem>>, vector<128x16xf32>
    %dot_general3A = arith.constant dense<0.000000e+00> : vector<10000x16xf32>
    %dot_general3A_5 = tpu.matmul %get3A_1, %get3A_4, %dot_general3A {dimension_numbers = #tpu.dot_dimension_numbers<[1], [0], [0], [1], [0, 0, 1, 1], [], []>, transpose_lhs_hint = false} : vector<10000x128xf32>, vector<128x16xf32>, vector<10000x16xf32> -> vector<10000x16xf32>
    %swap3A = arith.constant 0 : index
    %swap3A_6 = arith.constant 0 : index
    %swap3A_7 = vector.load %arg2[%swap3A, %swap3A_6] : memref<10112x16xf32, #tpu.memory_space<vmem>>, vector<10000x16xf32>
    tpu.vector_store %arg2[%swap3A, %swap3A_6], %dot_general3A_5 {strides = array<i32>} : memref<10112x16xf32, #tpu.memory_space<vmem>>, vector<10000x16xf32>,
    %broadcast_in_dim3A = arith.constant 0.000000e+00 : f32
    %broadcast_in_dim3A_8 = vector.broadcast %broadcast_in_dim3A : f32 to vector<112x16xf32>
    %swap3A_9 = arith.constant 10000 : index
    %swap3A_10 = arith.constant 0 : index
    %swap3A_11 = vector.load %arg2[%swap3A_9, %swap3A_10] : memref<10112x16xf32, #tpu.memory_space<vmem>>, vector<112x16xf32>
    tpu.vector_store %arg2[%swap3A_9, %swap3A_10], %broadcast_in_dim3A_8 {strides = array<i32>} : memref<10112x16xf32, #tpu.memory_space<vmem>>, vector<112x16xf32>,
    return
  }
}

module attributes {stable_mosaic.version = 14 : i64} {
  func.func @_tc3_body(%arg0: memref<20224x16xf32, #tpu.memory_space<vmem>>, %arg1: memref<20224x16xf32, #tpu.memory_space<vmem>>, %arg2: memref<16x2xf32, #tpu.memory_space<vmem>>, %arg3: memref<1x2xf32, #tpu.memory_space<vmem>>, %arg4: memref<10000x2xf32, #tpu.memory_space<vmem>>) attributes {dimension_semantics = [], scalar_prefetch = 0 : i64, scratch_operands = 0 : i64, tpu.core_type = #tpu.core_type<tc>} {
    %get3A = arith.constant 0 : index
    %get3A_0 = arith.constant 0 : index
    %get3A_1 = vector.load %arg1[%get3A, %get3A_0] : memref<20224x16xf32, #tpu.memory_space<vmem>>, vector<10000x1xf32>
    %get3A_2 = arith.constant 10112 : index
    %get3A_3 = arith.constant 0 : index
    %get3A_4 = vector.load %arg1[%get3A_2, %get3A_3] : memref<20224x16xf32, #tpu.memory_space<vmem>>, vector<10000x1xf32>
    %add3A = arith.addf %get3A_1, %get3A_4 : vector<10000x1xf32>
    %gt3A = arith.constant 0.000000e+00 : f32
    %gt3A_5 = vector.broadcast %gt3A : f32 to vector<10000x1xf32>
    %gt3A_6 = arith.cmpf ogt, %add3A, %gt3A_5 : vector<10000x1xf32>
    %rsqrt3A = math.rsqrt %add3A : vector<10000x1xf32>
    %jit3A = arith.constant 0.000000e+00 : f32
    %broadcast_in_dim3A = vector.broadcast %jit3A : f32 to vector<10000x1xf32>
    %select_n3A = arith.select %gt3A_6, %rsqrt3A, %broadcast_in_dim3A : vector<10000x1xi1>, vector<10000x1xf32>
    %get3A_7 = arith.constant 0 : index
    %get3A_8 = arith.constant 0 : index
    %get3A_9 = vector.load %arg0[%get3A_7, %get3A_8] : memref<20224x16xf32, #tpu.memory_space<vmem>>, vector<10000x16xf32>
    %get3A_10 = arith.constant 10112 : index
    %get3A_11 = arith.constant 0 : index
    %get3A_12 = vector.load %arg0[%get3A_10, %get3A_11] : memref<20224x16xf32, #tpu.memory_space<vmem>>, vector<10000x16xf32>
    %add3A_13 = arith.addf %get3A_9, %get3A_12 : vector<10000x16xf32>
    %mul3A = vector.broadcast %select_n3A : vector<10000x1xf32> to vector<10000x16xf32>
    %mul3A_14 = arith.mulf %add3A_13, %mul3A : vector<10000x16xf32>
    %get3A_15 = arith.constant 0 : index
    %get3A_16 = arith.constant 0 : index
    %get3A_17 = vector.load %arg2[%get3A_15, %get3A_16] : memref<16x2xf32, #tpu.memory_space<vmem>>, vector<16x2xf32>
    %dot_general3A = arith.constant dense<0.000000e+00> : vector<10000x2xf32>
    %dot_general3A_18 = tpu.matmul %mul3A_14, %get3A_17, %dot_general3A {dimension_numbers = #tpu.dot_dimension_numbers<[1], [0], [0], [1], [0, 0, 1, 1], [], []>, transpose_lhs_hint = false} : vector<10000x16xf32>, vector<16x2xf32>, vector<10000x2xf32> -> vector<10000x2xf32>
    %get3A_19 = arith.constant 0 : index
    %get3A_20 = arith.constant 0 : index
    %get3A_21 = vector.load %arg3[%get3A_19, %get3A_20] : memref<1x2xf32, #tpu.memory_space<vmem>>, vector<1x2xf32>
    %add3A_22 = vector.broadcast %get3A_21 : vector<1x2xf32> to vector<10000x2xf32>
    %add3A_23 = arith.addf %dot_general3A_18, %add3A_22 : vector<10000x2xf32>
    %reduce_max3A = arith.constant dense<0xFF800000> : vector<10000xf32>
    %reduce_max3A_24 = vector.multi_reduction <maximumf>, %add3A_23, %reduce_max3A [1] : vector<10000x2xf32> to vector<10000xf32>
    %broadcast_in_dim3A_25 = vector.shape_cast %reduce_max3A_24 : vector<10000xf32> to vector<10000x1xf32>
    %sub3A = vector.broadcast %broadcast_in_dim3A_25 : vector<10000x1xf32> to vector<10000x2xf32>
    %sub3A_26 = arith.subf %add3A_23, %sub3A : vector<10000x2xf32>
    %sub3A_27 = vector.broadcast %broadcast_in_dim3A_25 : vector<10000x1xf32> to vector<10000x2xf32>
    %sub3A_28 = arith.subf %add3A_23, %sub3A_27 : vector<10000x2xf32>
    %exp3A = math.exp %sub3A_28 : vector<10000x2xf32>
    %reduce_sum3A = arith.constant dense<0.000000e+00> : vector<10000xf32>
    %reduce_sum3A_29 = vector.multi_reduction <add>, %exp3A, %reduce_sum3A [1] : vector<10000x2xf32> to vector<10000xf32>
    %broadcast_in_dim3A_30 = vector.shape_cast %reduce_sum3A_29 : vector<10000xf32> to vector<10000x1xf32>
    %log3A = math.log %broadcast_in_dim3A_30 : vector<10000x1xf32>
    %sub3A_31 = vector.broadcast %log3A : vector<10000x1xf32> to vector<10000x2xf32>
    %sub3A_32 = arith.subf %sub3A_26, %sub3A_31 : vector<10000x2xf32>
    %swap3A = arith.constant 0 : index
    %swap3A_33 = arith.constant 0 : index
    %swap3A_34 = vector.load %arg4[%swap3A, %swap3A_33] : memref<10000x2xf32, #tpu.memory_space<vmem>>, vector<10000x2xf32>
    tpu.vector_store %arg4[%swap3A, %swap3A_33], %sub3A_32 {strides = array<i32>} : memref<10000x2xf32, #tpu.memory_space<vmem>>, vector<10000x2xf32>,
    return
  }
}

</mosaic_0001>

<sc_bundles>
// kernel: kernel.10.cloned.1.call-start
scs
__scs_entry_jumppad:
0x0: {  	(pc) =	sbr.rel $0x88, $3  }
0x1: {  	(tag) =	ssettag $0x0;
	lr =	simm.s32 $0x1  }
0x2: {  	[smem:$0x3F9B] =	sst lr;
	_ =	strace $0xD0000000  }
0x3: {  	_ = 	snop  }
0x4: {  	_ = 	snop  }
0x5: {  	_ = 	snop  }
0x6: {  	_ = 	snop  }
0x7: {  	_ = 	snop  }
__scs_overlays_trampoline_lowered:
0x8: {  	[smem:$0x3FAA] =	sst s0  }
0x9: {  	[smem:$0x3FAB] =	sst s1  }
0xa: {  	[smem:$0x3FAC] =	sst s2  }
0xb: {  	[smem:$0x3FAD] =	sst s3  }
0xc: {  	[smem:$0x3FAE] =	sst s4  }
0xd: {  	[smem:$0x3FAF] =	sst s5  }
0xe: {  	[smem:$0x3FB0] =	sst s6  }
0xf: {  	[smem:$0x3FB1] =	sst s7  }
0x10: {  	[smem:$0x3FB2] =	sst s8  }
0x11: {  	[smem:$0x3FB3] =	sst s9;
	s0 =	simm.s32 @!p0 $0x0  }
0x12: {  	s1 =	sld [smem:$0x3F99];
	s0 =	simm.s32 @p0 $0x1  }
0x13: {  	[smem:$0x3FB4] =	sst s0;
	s0 =	simm.s32 @!p1 $0x0  }
0x14: {  	s2 =	sld [smem:$0x3F98];
	s0 =	simm.s32 @p1 $0x1  }
0x15: {  	[smem:$0x3FB5] =	sst s0;
	s0 =	simm.s32 @!p2 $0x0  }
0x16: {  	s3 =	sld [smem:$0x3FDB];
	s0 =	simm.s32 @p2 $0x1  }
0x17: {  	s4 =	simm.s32 $0x1BF5;
	[smem:$0x3FB7] =	sst s0  }
0x18: {  	s0 =	sld [smem:$0x3F9A];
	_ =	swait.ge [sflag:s4], $0x0  }
0x19: {  	s7 =	sld [smem:$0x3F9B]  }
0x1a: {  	s8 =	sadd.s32 $0xFFFFE003, lr  }
0x1b: {  	s9 =	sadd.s32 $0xFFFFFEF7, lr;
	s5 =	simm.s32 $0xFFFFFFFF;
	p2 =	slt.u32 s8, $0xFFFFF086  }
0x1c: {  	p1 =	slt.u32 s9, $0xF7A;
	s5 =	simm.s32 @!p2 $0x0  }
0x1d: {  	s5 =	simm.s32 @p1 $0x1;
	p0 =	seq.s32 s7, s2  }
0x1e: {  	s7 =	smul.u32 @!p0 $0xF7A, s2;
	p2 =	seq.s32 @!p0 s5, $0x0  }
0x1f: {  	s9 =	smul.u32 $0xF7A, s1;
	s8 =	simm.s32 @!p0 $0x1BF5;
	p2 =	por !p2, p0  }
0x20: {  	[sflag:s8] =	ssyncset.s32 @!p0 $0xFFFFF086;
	s6 =	sadd.s32 @!p0 s3, s7;
	s7 =	simm.s32 @!p0 $0x108  }
0x21: {  	s3 =	sadd.s32 s3, s9;
	s6 =	sadd.s32 @!p0 $0x88, s6;
	s7 =	simm.s32 @p2 $0x1082  }
0x22: {  	[simem:s7], [sflag:s8] =	dma.local @!p0 [hbm:s6], $0xF7A  }
0x23: {  	s9 =	sor.u32 $0xD0000000, s2;
	s6 =	simm.s32 $0x108;
	_ =	swait.ge @!p0 [sflag:s8], $0x0  }
0x24: {  	s3 =	sadd.s32 $0x88, s3;
	s6 =	simm.s32 @!p1 $0x1082;
	[sflag:s4] =	ssyncset.s32 $0xFFFFF086  }
0x25: {  	[simem:s6], [sflag:s4] =	dma.local [hbm:s3], $0xF7A  }
0x26: {  	[smem:$0x3F9B] =	sst s1;
	(tag) =	ssettag s2;
	_ =	strace s9  }
0x27: {  	s1 =	sld [smem:$0x3FAB]  }
0x28: {  	s2 =	sld [smem:$0x3FAC]  }
0x29: {  	s4 =	sld [smem:$0x3FAE]  }
0x2a: {  	p0 =	seq.s32 s5, $0x0;
	s5 =	sld [smem:$0x3FAF]  }
0x2b: {  	s6 =	sld [smem:$0x3FB0]  }
0x2c: {  	s7 =	sld [smem:$0x3FB1]  }
0x2d: {  	s3 =	simm.s32 $0x108;
	s8 =	sld [smem:$0x3FB2]  }
0x2e: {  	s3 =	simm.s32 @!p0 $0x1082;
	s9 =	sld [smem:$0x3FB3]  }
0x2f: {  	lr =	sadd.s32 s0, s3;
	s0 =	sld [smem:$0x3FAA]  }
0x30: {  	s3 =	sld [smem:$0x3FAD]  }
0x31: {  	[smem:$0x3FB6] =	sst s10  }
0x32: {  	s10 =	sld [smem:$0x3FB4];
	_ =	sdelay $0x3  }
0x33: {  	p0 =	seq.s32 s10, $0x1;
	s10 =	sld [smem:$0x3FB6];
	_ =	sdelay $0x3  }
0x34: {  	[smem:$0x3FB6] =	sst s10  }
0x35: {  	s10 =	sld [smem:$0x3FB5];
	_ =	sdelay $0x3  }
0x36: {  	p1 =	seq.s32 s10, $0x1;
	s10 =	sld [smem:$0x3FB6];
	_ =	sdelay $0x3  }
0x37: {  	[smem:$0x3FB6] =	sst s10  }
0x38: {  	s10 =	sld [smem:$0x3FB7]  }
0x39: {  	_ = 	snop;
	(pc) =	sbr.ind lr, $3  }
0x3a: {  	_ = 	snop  }
0x3b: {  	_ = 	snop  }
0x3c: {  	p2 =	seq.s32 s10, $0x1;
	s10 =	sld [smem:$0x3FB6]  }
0x3d: {  	_ =	shalt  }
0x3e: {  	_ =	shalt  }
0x3f: {  	_ =	shalt  }
0x40: {  	_ =	shalt  }
0x41: {  	_ =	shalt  }
0x42: {  	_ =	shalt  }
0x43: {  	_ =	shalt  }
0x44: {  	_ =	shalt  }
0x45: {  	_ =	shalt  }
0x46: {  	_ =	shalt  }
0x47: {  	_ =	shalt  }
0x48: {  	_ =	shalt  }
0x49: {  	_ =	shalt  }
0x4a: {  	_ =	shalt  }
0x4b: {  	_ =	shalt  }
0x4c: {  	_ =	shalt  }
0x4d: {  	_ =	shalt  }
0x4e: {  	_ =	shalt  }
0x4f: {  	_ =	shalt  }
0x50: {  	_ =	shalt  }
0x51: {  	_ =	shalt  }
0x52: {  	_ =	shalt  }
0x53: {  	_ =	shalt  }
0x54: {  	_ =	shalt  }
0x55: {  	_ =	shalt  }
0x56: {  	_ =	shalt  }
0x57: {  	_ =	shalt  }
0x58: {  	_ =	shalt  }
0x59: {  	_ =	shalt  }
0x5a: {  	_ =	shalt  }
0x5b: {  	_ =	shalt  }
0x5c: {  	_ =	shalt  }
0x5d: {  	_ =	shalt  }
0x5e: {  	_ =	shalt  }
0x5f: {  	_ =	shalt  }
0x60: {  	_ =	shalt  }
0x61: {  	_ =	shalt  }
0x62: {  	_ =	shalt  }
0x63: {  	_ =	shalt  }
0x64: {  	_ =	shalt  }
0x65: {  	_ =	shalt  }
0x66: {  	_ =	shalt  }
0x67: {  	_ =	shalt  }
0x68: {  	_ =	shalt  }
0x69: {  	_ =	shalt  }
0x6a: {  	_ =	shalt  }
0x6b: {  	_ =	shalt  }
0x6c: {  	_ =	shalt  }
0x6d: {  	_ =	shalt  }
0x6e: {  	_ =	shalt  }
0x6f: {  	_ =	shalt  }
0x70: {  	_ =	shalt  }
0x71: {  	_ =	shalt  }
0x72: {  	_ =	shalt  }
0x73: {  	_ =	shalt  }
0x74: {  	_ =	shalt  }
0x75: {  	_ =	shalt  }
0x76: {  	_ =	shalt  }
0x77: {  	_ =	shalt  }
0x78: {  	_ =	shalt  }
0x79: {  	_ =	shalt  }
0x7a: {  	_ =	shalt  }
0x7b: {  	_ =	shalt  }
0x7c: {  	_ =	shalt  }
0x7d: {  	_ =	shalt  }
0x7e: {  	_ =	shalt  }
0x7f: {  	_ =	shalt  }
0x80: {  	_ =	shalt  }
0x81: {  	_ =	shalt  }
0x82: {  	_ =	shalt  }
0x83: {  	_ =	shalt  }
0x84: {  	_ =	shalt  }
0x85: {  	_ =	shalt  }
0x86: {  	_ =	shalt  }
0x87: {  	_ =	shalt  }
.Lfunc_end0:
.L_simem_size_0:
called_computation.1_lowered:
.L_overlay_start_0:
0x88: {  	s2 =	sld [smem:$0x3FD9]  }
0x89: {  	s3 =	sld [smem:$0x3FFE];
	_ =	sdelay $0x1  }
0x8a: {  	s1 =	srdreg.scid  }
0x8b: {  	s0 =	sand.u32 $0x1, s1  }
0x8c: {  	s16 =	sshll.u32 s0, $0xA;
	s2 =	sadd.s32 s3, s2  }
0x8d: {  	s2 =	sadd.s32 s2, s16  }
0x8e: {  	[smem:$0x3FC2] =	sst s2  }
0x8f: {  	_ = 	snop  }
0x90: {  	(tm) =	ssettm $0x1  }
0x91: {  	s17 =	sld [smem:$0x3FFB];
	_ =	sdelay $0x3  }
0x92: {  	_ =	strace s17  }
0x93: {  	s2 =	sld [smem:$0x3FFC];
	_ =	sdelay $0x3  }
0x94: {  	_ =	strace s2  }
0x95: {  	s2 =	sld [smem:$0x3FFD];
	_ =	sdelay $0x3  }
0x96: {  	_ =	strace s2  }
0x97: {  	_ =	strace $0x8FFFFFFF  }
0x98: {  	s18 =	sld [smem:$0x3FDB];
	_ =	sdelay $0x1  }
0x99: {  	s19 =	simm.s32 $_scs_section_size  }
0x9a: {  	s4 =	simm.s32 $_size__tile_overlayer_lowered;
	s5 =	simm.s32 $_tile_overlayer_lowered  }
0x9b: {  	s22 =	simm.s32 $0x1BFF;
	s21 =	sshll.u32 s5, $0x1;
	s2 =	sadd.s32 s19, s18  }
0x9c: {  	s6 =	simm.s32 $0x0;
	s20 =	sshll.u32 s4, $0x1;
	s4 =	sadd.s32 s21, s2  }
0x9d: {  	[timem:s6], [sflag:s22] =	dma.local [hbm:s4], s20  }
0x9e: {  	_ =	swait.ge [sflag:s22], s20  }
0x9f: {  	s3 =	ssub.s32 $0x0, s20;
	[sflag:s22] =	ssyncset.done $0x0  }
0xa0: {  	[sflag:s22] =	ssyncadd.s32 s3;
	_ =	sdelay $0x1  }
0xa1: {  	s23 =	simm.s32 $0x1B8B  }
0xa2: {  	_ =	swait.ge [sflag:s23], $0x1  }
0xa3: {  	[sflag:s23] =	ssyncset.done $0x0  }
0xa4: {  	s25 =	simm.s32 $0x1B8E;
	s24 =	sld [smem:$0x3FFE];
	[sflag:s23] =	ssyncadd.s32 $0xFFFFFFFF  }
0xa5: {  	s26 =	simm.s32 $execute0_lowered;
	[smem:$0x3FD2] =	sst s25  }
0xa6: {  	s4 =	sshll.u32 s26, $0x1;
	_ =	strace $0x80000049;
	[dreg:$0x1] =	wrdreg $0xFFFFFFFF  }
0xa7: {  	s28 =	simm.s32 $_size_execute0_lowered;
	s2 =	sadd.s32 s2, s4;
	[dreg:$0x0] =	wrdreg $0x0  }
0xa8: {  	s4 =	sshll.u32 s28, $0x1;
	[dreg:$0x2] =	wrdreg s2  }
0xa9: {  	[dreg:$0x3] =	wrdreg s4  }
0xaa: {  	[dreg:$0x4] =	wrdreg $0xC0  }
0xab: {  	_ =	task [dreg:s6], $0x5FFFF  }
0xac: {  	[dreg:$0x1] =	wrdreg $0xFFFFFFFF  }
0xad: {  	[dreg:$0x0] =	wrdreg $0x60  }
0xae: {  	[dreg:$0x2] =	wrdreg s24  }
0xaf: {  	[dreg:$0x3] =	wrdreg $0xDF800  }
0xb0: {  	[dreg:$0x4] =	wrdreg $0x107000  }
0xb1: {  	[dreg:$0x5] =	wrdreg $0x9  }
0xb2: {  	_ =	task.clear_ibuf [dreg:s6], $0x6FFFF;
	_ =	strace $0x90000049  }
0xb3: {  	s29 =	simm.s32 $0x9;
	_ =	strace $0x8000004B  }
0xb4: {  	_ =	swait.ge [sflag:s29], $0x1  }
0xb5: {  	[sflag:s29] =	ssyncadd.s32 $0xFFFFFFFF  }
0xb6: {  	_ =	strace $0x9000004B  }
0xb7: {  	_ =	sfence  }
0xb8: {  	s30 =	sld [smem:$0x0];
	_ =	sdelay $0x2  }
0xb9: {  	s31 =	sshll.u32 s1, $0xD;
	s1 =	sshrl.u32 s1, $0x2  }
0xba: {  	s3 =	sand.u32 $0x4000, s31;
	s1 =	sadd.s32 s1, s30  }
0xbb: {  	s0 =	sor.u32 s3, s0;
	s1 =	sshll.u32 s1, $0x11  }
0xbc: {  	s0 =	sor.u32 s1, s0  }
0xbd: {  	s0 =	sadd.s32 $0x8F2B, s0  }
0xbe: {  	[sflag:s0] =	ssyncadd.remote.s32 $0x1  }
0xbf: {  	_ =	sfence.sel $0xFFFF  }
0xc0: {  	[dreg:$0x0] =	wrdreg $0xFFFFFFFF;
	(pc) =	sbr.abs _section_cstart, $3  }
0xc1: {  	[dreg:$0x1] =	wrdreg $0xFFFFFFFF  }
0xc2: {  	_ =	task.clear_ibuf [dreg:s6], $0x2FFFF;
	_ =	strace $0x9FFFFFFF  }
0xc3: {  	(tm) =	ssettm $0x7FFFFFFF  }
tec
execute0_lowered:
.L_overlay_start_1:
0x0: {  	(tag) =	ssettag $0x1  }
0x1: {  	s5 =	rddreg [dreg:$0x0]  }
0x2: {  	s0 =	srdreg.scid;
	s2 =	rddreg [dreg:$0x1]  }
0x3: {  	s16 =	stileid.u32;
	s3 =	rddreg [dreg:$0x2]  }
0x4: {  	s4 =	simm.s32 $0x0;
	s15 =	simm.s32 $0x4;
	s17 =	simm.s32 $0x6900  }
0x5: {  	s18 =	simm.s32 $0x9080;
	s22 =	simm.s32 $0x80;
	s23 =	simm.s32 $0x5100  }
0x6: {  	s24 =	simm.s32 $0x5900;
	s28 =	simm.s32 $0x1;
	s29 =	simm.s32 $0x2  }
0x7: {  	s30 =	simm.s32 $0x3;
	s0 =	sand.u32 $0x1, s0;
	s11 =	smul.u32 $0x2780, s16  }
0x8: {  	s6 =	smul.u32 $0x278, s16;
	[smem:$0x7FF] =	sst s4;
	s31 =	sshll.u32 s16, $0x6  }
0x9: {  	s1 =	sshll.u32 s0, $0x4;
	s7 =	smul.u32 $0x2780, s0;
	_ =	strace $0x8000004A  }
0xa: {  	s0 =	ssub.s32 $0x2, s0;
	s20 =	sor.u32 $0x1C04, s31;
	s1 =	sor.u32 s16, s1  }
0xb: {  	s8 =	sshrl.u32 s11, $0x3;
	s25 =	sshrl.u32 s0, $0x1;
	s26 =	sadd.s32 s11, s2  }
0xc: {  	s11 =	sadd.s32 s11, s3;
	s16 =	simm.s32 $0x0;
	s1 =	smul.u32 $0x510, s1  }
0xd: {  	s6 =	sadd.s32 s6, s7;
	s10 =	sadd.s32 s8, s5;
	s0 =	ssub.s32 s0, s25  }
0xe: {  	s21 =	sshrl.u32 s26, $0x3;
	s26 =	simm.s32 $0x6100;
	s6 =	sshll.u32 s6, $0x1  }
0xf: {  	s7 =	sadd.s32 $0x1A800, s10;
	s8 =	sadd.s32 $0x10A00, s10;
	s9 =	sadd.s32 $0x15900, s10  }
0x10: {  	s10 =	sadd.s32 $0xBA00, s10;
	s14 =	smax.u32 s0, $0x1;
	s1 =	sadd.s32 s1, s5  }
0x11: {  	s0 =	simm.s32 $0x5080;
	s13 =	sadd.s32 s6, s5;
	s5 =	sadd.s32 $0x1F800, s1  }
0x12: {  	s6 =	sadd.s32 $0x1800, s1;
	s12 =	sadd.s32 $0x33800, s13;
	s13 =	sadd.s32 $0x29A00, s13  }
.LBB2_1:
0x13: {  	[tilespmem:s4], [sflag:$0x4] =	stream.linear.gather [hbm4b:s5+s4], $0x2880, $0x38;
	[tilespmem:$0x12E80] =	vst v63  }
0x14: {  	_ =	swait.ge [sflag:s15], $0x2880  }
0x15: {  	[sflag:s15] =	ssyncset.done $0x0  }
0x16: {  	s1 =	simm.s32 $0x2880;
	[sflag:s15] =	ssyncadd.s32 $0xFFFFD780  }
0x17: {  	[tilespmem:s1], [sflag:$0x4] =	stream.linear.gather [hbm4b:s6+s4], $0x2880, $0x38;
	[tilespmem:$0x12E80] =	vst v63  }
0x18: {  	_ =	swait.ge [sflag:s15], $0x2880  }
0x19: {  	[sflag:s15] =	ssyncset.done $0x0  }
0x1a: {  	[sflag:s15] =	ssyncadd.s32 $0xFFFFD780  }
0x1b: {  	[tilespmem:s17], [sflag:$0x4] =	stream.linear.gather [hbm4b:s7+s4], $0x2780, $0x38;
	[tilespmem:$0x12E80] =	vst v63  }
0x1c: {  	_ =	swait.ge [sflag:s15], $0x2780  }
0x1d: {  	[sflag:s15] =	ssyncset.done $0x0  }
0x1e: {  	[sflag:s15] =	ssyncadd.s32 $0xFFFFD880  }
0x1f: {  	[tilespmem:s18], [sflag:$0x4] =	stream.linear.gather [hbm4b:s8+s4], $0x2780, $0x38;
	[tilespmem:$0x12E80] =	vst v63  }
0x20: {  	_ =	swait.ge [sflag:s15], $0x2780  }
0x21: {  	[sflag:s15] =	ssyncset.done $0x0  }
0x22: {  	s25 =	simm.s32 $0xB800;
	[sflag:s15] =	ssyncadd.s32 $0xFFFFD880  }
0x23: {  	[tilespmem:s25], [sflag:$0x4] =	stream.linear.gather [hbm4b:s9+s4], $0x2780, $0x38;
	[tilespmem:$0x12E80] =	vst v63  }
0x24: {  	_ =	swait.ge [sflag:s15], $0x2780  }
0x25: {  	[sflag:s15] =	ssyncset.done $0x0  }
0x26: {  	[sflag:s15] =	ssyncadd.s32 $0xFFFFD880  }
0x27: {  	[spmem:s21], [sflag:s20] =	dma.local [hbm:s10], $0x4F0  }
0x28: {  	_ =	swait.ge [sflag:s15], $0x4F0  }
0x29: {  	[sflag:s15] =	ssyncset.done $0x0  }
0x2a: {  	s19 =	simm.s32 $0x0;
	[sflag:s15] =	ssyncadd.s32 $0xFFFFFB10  }
0x2b: {  	v0 =	vld [tilespmem:s19+$0xB800]  }
0x2c: {  	v1 =	vld [tilespmem:s19+$0x9080];
	_ =	sdelay $0x4  }
0x2d: {  	v0 =	vadd.f32 v0, v1;
	_ =	sdelay $0x1  }
0x2e: {  	v1 =	vshrl.u32 v0, $0x1;
	v0 =	vmul.f32 $-5.000000000e-01, v0  }
0x2f: {  	v1 =	vsub.s32 $0x5F3759DF, v1  }
0x30: {  	v2 =	vmul.f32 v1, v0;
	_ =	sdelay $0x1  }
0x31: {  	v2 =	vmul.f32 v1, v2;
	_ =	sdelay $0x1  }
0x32: {  	v2 =	vadd.f32 $1.500000000e+00, v2;
	_ =	sdelay $0x1  }
0x33: {  	v1 =	vmul.f32 v1, v2;
	_ =	sdelay $0x1  }
0x34: {  	v2 =	vmul.f32 v1, v0;
	_ =	sdelay $0x1  }
0x35: {  	v2 =	vmul.f32 v2, v1;
	_ =	sdelay $0x1  }
0x36: {  	v2 =	vadd.f32 $1.500000000e+00, v2;
	_ =	sdelay $0x1  }
0x37: {  	v1 =	vmul.f32 v2, v1;
	_ =	sdelay $0x1  }
0x38: {  	v0 =	vmul.f32 v1, v0;
	_ =	sdelay $0x1  }
0x39: {  	v0 =	vmul.f32 v0, v1;
	_ =	sdelay $0x1  }
0x3a: {  	v2 =	vadd.f32 $1.500000000e+00, v0;
	v0 =	vld [tilespmem:s19+$0x6900];
	_ =	sdelay $0x2  }
0x3b: {  	s31 =	simm.s32 $0x80;
	s25 =	simm.s32 $0x40;
	v1 =	vmul.f32 v2, v1  }
.LBB2_2:
0x3c: {  	p0 =	sne.s32 s31, $0x9DC0;
	s1 =	sshra.s32 s25, $0x2;
	s25 =	smov.u32 s31  }
0x3d: {  	v2 =	vld [tilespmem:s1+$0xB800];
	[tilespmem:s19+$0x9080] =	vst v1;
	v0 =	vmul.f32 v1, v0  }
0x3e: {  	v1 =	vld [tilespmem:s1+$0x9080]  }
0x3f: {  	[tilespmem:s19+$0x6900] =	vst v0;
	s19 =	smov.u32 s1;
	_ =	sdelay $0x3  }
0x40: {  	v0 =	vadd.f32 v2, v1;
	_ =	sdelay $0x1  }
0x41: {  	v1 =	vshrl.u32 v0, $0x1;
	v0 =	vmul.f32 $-5.000000000e-01, v0  }
0x42: {  	v1 =	vsub.s32 $0x5F3759DF, v1  }
0x43: {  	v2 =	vmul.f32 v1, v0;
	_ =	sdelay $0x1  }
0x44: {  	v2 =	vmul.f32 v1, v2;
	_ =	sdelay $0x1  }
0x45: {  	v2 =	vadd.f32 $1.500000000e+00, v2;
	_ =	sdelay $0x1  }
0x46: {  	v1 =	vmul.f32 v1, v2;
	_ =	sdelay $0x1  }
0x47: {  	v2 =	vmul.f32 v1, v0;
	_ =	sdelay $0x1  }
0x48: {  	v2 =	vmul.f32 v2, v1;
	_ =	sdelay $0x1  }
0x49: {  	v2 =	vadd.f32 $1.500000000e+00, v2;
	_ =	sdelay $0x1  }
0x4a: {  	v1 =	vmul.f32 v2, v1;
	_ =	sdelay $0x1  }
0x4b: {  	v0 =	vmul.f32 v1, v0;
	_ =	sdelay $0x1  }
.Ltmp0:
0x4c: {  	v2 =	vmul.f32 v0, v1;
	(pc) =	sbr.rel @p0 .LBB2_2-.Ltmp0, $3  }
0x4d: {  	v0 =	vld [tilespmem:s19+$0x6900]  }
0x4e: {  	v2 =	vadd.f32 $1.500000000e+00, v2;
	_ =	sdelay $0x1  }
0x4f: {  	s31 =	sadd.s32 $0x40, s31;
	v1 =	vmul.f32 v2, v1  }
0x50: {  	s1 =	sshra.s32 s25, $0x2  }
0x51: {  	v2 =	vld [tilespmem:s1+$0xB800];
	[tilespmem:s19+$0x9080] =	vst v1  }
0x52: {  	v3 =	vld [tilespmem:s1+$0x9080];
	_ =	sdelay $0x4  }
0x53: {  	v2 =	vadd.f32 v2, v3;
	_ =	sdelay $0x1  }
0x54: {  	v3 =	vshrl.u32 v2, $0x1;
	v2 =	vmul.f32 $-5.000000000e-01, v2  }
0x55: {  	v3 =	vsub.s32 $0x5F3759DF, v3  }
0x56: {  	v4 =	vmul.f32 v3, v2;
	_ =	sdelay $0x1  }
0x57: {  	v4 =	vmul.f32 v3, v4;
	_ =	sdelay $0x1  }
0x58: {  	v4 =	vadd.f32 $1.500000000e+00, v4;
	_ =	sdelay $0x1  }
0x59: {  	v3 =	vmul.f32 v3, v4;
	_ =	sdelay $0x1  }
0x5a: {  	v4 =	vmul.f32 v3, v2;
	_ =	sdelay $0x1  }
0x5b: {  	v4 =	vmul.f32 v4, v3;
	_ =	sdelay $0x1  }
0x5c: {  	v4 =	vadd.f32 $1.500000000e+00, v4;
	_ =	sdelay $0x1  }
0x5d: {  	v3 =	vmul.f32 v4, v3;
	_ =	sdelay $0x1  }
0x5e: {  	v0 =	vmul.f32 v1, v0;
	v61 =	vmul.f32 v3, v2;
	_ =	sdelay $0x1  }
0x5f: {  	[tilespmem:s19+$0x6900] =	vst v0;
	v62 =	vmul.f32 v61, v3  }
0x60: {  	v63 =	vld [tilespmem:s1+$0x6900]  }
0x61: {  	v0 =	vadd.f32 $1.500000000e+00, v62;
	_ =	sdelay $0x1  }
0x62: {  	v0 =	vmul.f32 v0, v3;
	_ =	sdelay $0x1  }
0x63: {  	v1 =	vmul.f32 v0, v63  }
0x64: {  	[tilespmem:s1+$0x9080] =	vst v0  }
0x65: {  	[tilespmem:s1+$0x6900] =	vst v1  }
0x66: {  	[spmem:s11] =	stream.linear.scatter [tilespmem:s17], [sflag:$0x4], $0x2780, $0x38;
	[tilespmem:$0x12E80] =	vst v63  }
0x67: {  	_ =	swait.ge [sflag:s15], $0x2780  }
0x68: {  	[sflag:s15] =	ssyncset.done $0x0  }
0x69: {  	s31 =	simm.s32 $0x0;
	[sflag:s15] =	ssyncadd.s32 $0xFFFFD880  }
0x6a: {  	[hbm4b:s12+s31] =	stream.linear.scatter [tilespmem:s18], [sflag:$0x4], $0x2780, $0x38;
	[tilespmem:$0x12E80] =	vst v63  }
0x6b: {  	_ =	swait.ge [sflag:s15], $0x2780  }
0x6c: {  	[sflag:s15] =	ssyncset.done $0x0  }
0x6d: {  	[sflag:s15] =	ssyncadd.s32 $0xFFFFD880  }
0x6e: {  	[bflag:$0x0] =	sbarrier.arrive $0xFFFF  }
0x6f: {  	[tilespmem:s23], [sflag:$0x1] =	stream.indirect.gather [spmem:s3], $0x10, s31, s22, $0xb8;
	[tilespmem:$0x12E80] =	vst v63  }
0x70: {  	_ = 	snop  }
0x71: {  	[tilespmem:s24], [sflag:$0x2] =	stream.indirect.gather [spmem:s3], $0x10, s22, s22, $0xb8;
	[tilespmem:$0x12E80] =	vst v63  }
0x72: {  	s19 =	simm.s32 $0x100  }
0x73: {  	[tilespmem:s26], [sflag:$0x3] =	stream.indirect.gather [spmem:s3], $0x10, s19, s22, $0xb8;
	[tilespmem:$0x12E80] =	vst v63  }
0x74: {  	_ =	swait.ge [sflag:s28], $0x800  }
0x75: {  	[sflag:s28] =	ssyncset.done $0x0  }
0x76: {  	s25 =	simm.s32 $0x2880;
	[sflag:s28] =	ssyncadd.s32 $0xFFFFF800  }
0x77: {  	[spmem:s2] =	stream.indirect.scatter.add.f32 [tilespmem:s23], [sflag:$0x4], $0x10, s25, s22, $0xb8;
	[tilespmem:$0x12E80] =	vst v63  }
0x78: {  	_ =	swait.ge [sflag:s15], $0x800  }
0x79: {  	[sflag:s15] =	ssyncset.done $0x0  }
0x7a: {  	s31 =	simm.s32 $0x180;
	[sflag:s15] =	ssyncadd.s32 $0xFFFFF800  }
0x7b: {  	[tilespmem:s23], [sflag:$0x1] =	stream.indirect.gather [spmem:s3], $0x10, s31, s22, $0xb8;
	[tilespmem:$0x12E80] =	vst v63  }
0x7c: {  	_ =	swait.ge [sflag:s29], $0x800  }
0x7d: {  	[sflag:s29] =	ssyncset.done $0x0  }
0x7e: {  	s19 =	simm.s32 $0x2900;
	[sflag:s29] =	ssyncadd.s32 $0xFFFFF800  }
0x7f: {  	[spmem:s2] =	stream.indirect.scatter.add.f32 [tilespmem:s24], [sflag:$0x4], $0x10, s19, s22, $0xb8;
	[tilespmem:$0x12E80] =	vst v63  }
0x80: {  	_ =	swait.ge [sflag:s15], $0x800  }
0x81: {  	[sflag:s15] =	ssyncset.done $0x0  }
0x82: {  	s25 =	simm.s32 $0x200;
	[sflag:s15] =	ssyncadd.s32 $0xFFFFF800  }
0x83: {  	[tilespmem:s24], [sflag:$0x2] =	stream.indirect.gather [spmem:s3], $0x10, s25, s22, $0xb8;
	[tilespmem:$0x12E80] =	vst v63  }
0x84: {  	_ =	swait.ge [sflag:s30], $0x800  }
0x85: {  	[sflag:s30] =	ssyncset.done $0x0  }
0x86: {  	s31 =	simm.s32 $0x2980;
	[sflag:s30] =	ssyncadd.s32 $0xFFFFF800  }
0x87: {  	[spmem:s2] =	stream.indirect.scatter.add.f32 [tilespmem:s26], [sflag:$0x4], $0x10, s31, s22, $0xb8;
	[tilespmem:$0x12E80] =	vst v63  }
0x88: {  	_ =	swait.ge [sflag:s15], $0x800  }
0x89: {  	[sflag:s15] =	ssyncset.done $0x0  }
0x8a: {  	s19 =	simm.s32 $0x600;
	s25 =	simm.s32 $0x280;
	[sflag:s15] =	ssyncadd.s32 $0xFFFFF800  }
.LBB2_4:
0x8b: {  	[tilespmem:s26], [sflag:$0x3] =	stream.indirect.gather [spmem:s3], $0x10, s25, s22, $0xb8;
	[tilespmem:$0x12E80] =	vst v63  }
0x8c: {  	s1 =	smov.u32 s19  }
0x8d: {  	p0 =	sne.s32 s19, $0x9600;
	s19 =	sadd.s32 $0x600, s19;
	_ =	swait.ge [sflag:s28], $0x800  }
0x8e: {  	s1 =	sshra.s32 s1, $0x2;
	[sflag:s28] =	ssyncset.done $0x0  }
0x8f: {  	s25 =	sadd.s32 $0x2880, s1;
	[sflag:s28] =	ssyncadd.s32 $0xFFFFF800  }
0x90: {  	[spmem:s2] =	stream.indirect.scatter.add.f32 [tilespmem:s23], [sflag:$0x4], $0x10, s25, s22, $0xb8;
	[tilespmem:$0x12E80] =	vst v63  }
0x91: {  	_ =	swait.ge [sflag:s15], $0x800  }
0x92: {  	[sflag:s15] =	ssyncset.done $0x0  }
0x93: {  	s25 =	sadd.s32 $0x180, s1;
	[sflag:s15] =	ssyncadd.s32 $0xFFFFF800  }
0x94: {  	[tilespmem:s23], [sflag:$0x1] =	stream.indirect.gather [spmem:s3], $0x10, s25, s22, $0xb8;
	[tilespmem:$0x12E80] =	vst v63  }
0x95: {  	_ =	swait.ge [sflag:s29], $0x800  }
0x96: {  	[sflag:s29] =	ssyncset.done $0x0  }
0x97: {  	s25 =	sadd.s32 $0x2900, s1;
	[sflag:s29] =	ssyncadd.s32 $0xFFFFF800  }
0x98: {  	[spmem:s2] =	stream.indirect.scatter.add.f32 [tilespmem:s24], [sflag:$0x4], $0x10, s25, s22, $0xb8;
	[tilespmem:$0x12E80] =	vst v63  }
0x99: {  	_ =	swait.ge [sflag:s15], $0x800  }
0x9a: {  	[sflag:s15] =	ssyncset.done $0x0  }
0x9b: {  	s25 =	sadd.s32 $0x200, s1;
	[sflag:s15] =	ssyncadd.s32 $0xFFFFF800  }
0x9c: {  	[tilespmem:s24], [sflag:$0x2] =	stream.indirect.gather [spmem:s3], $0x10, s25, s22, $0xb8;
	[tilespmem:$0x12E80] =	vst v63  }
0x9d: {  	_ =	swait.ge [sflag:s30], $0x800  }
0x9e: {  	[sflag:s30] =	ssyncset.done $0x0  }
.Ltmp1:
0x9f: {  	s25 =	sadd.s32 $0x2980, s1;
	[sflag:s30] =	ssyncadd.s32 $0xFFFFF800;
	(pc) =	sbr.rel @p0 .LBB2_4-.Ltmp1, $4  }
0xa0: {  	[spmem:s2] =	stream.indirect.scatter.add.f32 [tilespmem:s26], [sflag:$0x4], $0x10, s25, s22, $0xb8;
	[tilespmem:$0x12E80] =	vst v63  }
0xa1: {  	_ =	swait.ge [sflag:s15], $0x800  }
0xa2: {  	[sflag:s15] =	ssyncset.done $0x0  }
0xa3: {  	s25 =	sadd.s32 $0x280, s1;
	[sflag:s15] =	ssyncadd.s32 $0xFFFFF800  }
0xa4: {  	[tilespmem:s26], [sflag:$0x3] =	stream.indirect.gather [spmem:s3], $0x10, s25, s22, $0xb8;
	[tilespmem:$0x12E80] =	vst v63  }
0xa5: {  	_ =	swait.ge [sflag:s28], $0x800  }
0xa6: {  	[sflag:s28] =	ssyncset.done $0x0  }
0xa7: {  	s1 =	simm.s32 $0x4F80;
	[sflag:s28] =	ssyncadd.s32 $0xFFFFF800  }
0xa8: {  	[spmem:s2] =	stream.indirect.scatter.add.f32 [tilespmem:s23], [sflag:$0x4], $0x10, s1, s22, $0xb8;
	[tilespmem:$0x12E80] =	vst v63  }
0xa9: {  	_ =	swait.ge [sflag:s15], $0x800  }
0xaa: {  	[sflag:s15] =	ssyncset.done $0x0  }
0xab: {  	[sflag:s15] =	ssyncadd.s32 $0xFFFFF800  }
0xac: {  	_ =	swait.ge [sflag:s29], $0x800  }
0xad: {  	[sflag:s29] =	ssyncset.done $0x0  }
0xae: {  	s31 =	simm.s32 $0x5000;
	[sflag:s29] =	ssyncadd.s32 $0xFFFFF800  }
0xaf: {  	[spmem:s2] =	stream.indirect.scatter.add.f32 [tilespmem:s24], [sflag:$0x4], $0x10, s31, s22, $0xb8;
	[tilespmem:$0x12E80] =	vst v63  }
0xb0: {  	_ =	swait.ge [sflag:s15], $0x800  }
0xb1: {  	[sflag:s15] =	ssyncset.done $0x0  }
0xb2: {  	[sflag:s15] =	ssyncadd.s32 $0xFFFFF800  }
0xb3: {  	_ =	swait.ge [sflag:s30], $0x800  }
0xb4: {  	[sflag:s30] =	ssyncset.done $0x0  }
0xb5: {  	[sflag:s30] =	ssyncadd.s32 $0xFFFFF800  }
0xb6: {  	[spmem:s2] =	stream.indirect.scatter.add.f32 [tilespmem:s26], [sflag:$0x4], $0x10, s0, s22, $0xb8;
	[tilespmem:$0x12E80] =	vst v63  }
0xb7: {  	_ =	swait.ge [sflag:s15], $0x800  }
0xb8: {  	s16 =	sadd.s32 $0x1, s16;
	[sflag:s15] =	ssyncset.done $0x0  }
0xb9: {  	p0 =	sne.s32 s16, s14;
	[sflag:s15] =	ssyncadd.s32 $0xFFFFF800  }
.Ltmp2:
0xba: {  	[bflag:$0x0] =	sbarrier.arrive $0xFFFF;
	(pc) =	sbr.rel @p0 .LBB2_1-.Ltmp2, $4  }
0xbb: {  	[hbm:s13], [sflag:s20] =	dma.local [spmem:s21], $0x4F0  }
0xbc: {  	_ =	swait.ge [sflag:s15], $0x4F0  }
0xbd: {  	[sflag:s15] =	ssyncset.done $0x0  }
0xbe: {  	[sflag:s15] =	ssyncadd.s32 $0xFFFFFB10  }
0xbf: {  	_ =	sfence.sel $0x180000  }
0xc0: {  	[bflag:$0x0] =	sbarrier.arrive $0xFFFF  }
0xc1: {  	_ =	strace $0x9000004A  }
0xc2: {  	s0 =	stileid.u32;
	[bflag:$0x2] =	sbarrier.arrive $0xFFFF  }
0xc3: {  	p0 =	sne.s32 s0, $0x0;
	s0 =	rddreg [dreg:$0x3]  }
0xc4: {  	s0 =	sadd.s32 @!p0 $0x100000, s0  }
0xc5: {  	[sflag:s0] =	ssyncadd.tile.s32 @!p0 $0x1;
	_ =	shalt  }
.Lfunc_end2:
_tile_overlayer_lowered:
.L_overlay_start_2:
0xc6: {  	(tag) =	ssettag $0x2  }
0xc7: {  	s0 =	rddreg [dreg:$0x0];
	s2 =	stileid.u32  }
0xc8: {  	s1 =	rddreg [dreg:$0x1];
	p0 =	sne.s32 s2, $0x0  }
0xc9: {  	s3 =	rddreg [dreg:$0x2];
	[bflag:$0x3] =	sbarrier.arrive $0xFFFF;
	s2 =	simm.s32 @!p0 $0x1C04  }
0xca: {  	[timem:s3], [sflag:s2] =	dma.local @!p0 [hbm:s0], s1  }
0xcb: {  	s0 =	simm.s32 @!p0 $0x4  }
0xcc: {  	_ =	swait.ge @!p0 [sflag:s0], s1  }
0xcd: {  	s1 =	ssub.s32 @!p0 $0x0, s1;
	[sflag:s0] =	ssyncset.done @!p0 $0x0  }
0xce: {  	[sflag:s0] =	ssyncadd.s32 @!p0 s1  }
0xcf: {  	[bflag:$0x3] =	sbarrier.arrive $0xFFFF  }
0xd0: {  	_ =	shalt  }

// kernel: kernel.13.cloned.1.call-start
scs
__scs_entry_jumppad:
0x0: {  	(pc) =	sbr.rel $0x88, $3  }
0x1: {  	(tag) =	ssettag $0x0;
	lr =	simm.s32 $0x1  }
0x2: {  	[smem:$0x3F9B] =	sst lr;
	_ =	strace $0xD0000000  }
0x3: {  	_ = 	snop  }
0x4: {  	_ = 	snop  }
0x5: {  	_ = 	snop  }
0x6: {  	_ = 	snop  }
0x7: {  	_ = 	snop  }
__scs_overlays_trampoline_lowered:
0x8: {  	[smem:$0x3FAA] =	sst s0  }
0x9: {  	[smem:$0x3FAB] =	sst s1  }
0xa: {  	[smem:$0x3FAC] =	sst s2  }
0xb: {  	[smem:$0x3FAD] =	sst s3  }
0xc: {  	[smem:$0x3FAE] =	sst s4  }
0xd: {  	[smem:$0x3FAF] =	sst s5  }
0xe: {  	[smem:$0x3FB0] =	sst s6  }
0xf: {  	[smem:$0x3FB1] =	sst s7  }
0x10: {  	[smem:$0x3FB2] =	sst s8  }
0x11: {  	[smem:$0x3FB3] =	sst s9;
	s0 =	simm.s32 @!p0 $0x0  }
0x12: {  	s1 =	sld [smem:$0x3F99];
	s0 =	simm.s32 @p0 $0x1  }
0x13: {  	[smem:$0x3FB4] =	sst s0;
	s0 =	simm.s32 @!p1 $0x0  }
0x14: {  	s2 =	sld [smem:$0x3F98];
	s0 =	simm.s32 @p1 $0x1  }
0x15: {  	[smem:$0x3FB5] =	sst s0;
	s0 =	simm.s32 @!p2 $0x0  }
0x16: {  	s3 =	sld [smem:$0x3FDB];
	s0 =	simm.s32 @p2 $0x1  }
0x17: {  	s4 =	simm.s32 $0x1BF5;
	[smem:$0x3FB7] =	sst s0  }
0x18: {  	s0 =	sld [smem:$0x3F9A];
	_ =	swait.ge [sflag:s4], $0x0  }
0x19: {  	s7 =	sld [smem:$0x3F9B]  }
0x1a: {  	s8 =	sadd.s32 $0xFFFFE003, lr  }
0x1b: {  	s9 =	sadd.s32 $0xFFFFFEF7, lr;
	s5 =	simm.s32 $0xFFFFFFFF;
	p2 =	slt.u32 s8, $0xFFFFF086  }
0x1c: {  	p1 =	slt.u32 s9, $0xF7A;
	s5 =	simm.s32 @!p2 $0x0  }
0x1d: {  	s5 =	simm.s32 @p1 $0x1;
	p0 =	seq.s32 s7, s2  }
0x1e: {  	s7 =	smul.u32 @!p0 $0xF7A, s2;
	p2 =	seq.s32 @!p0 s5, $0x0  }
0x1f: {  	s9 =	smul.u32 $0xF7A, s1;
	s8 =	simm.s32 @!p0 $0x1BF5;
	p2 =	por !p2, p0  }
0x20: {  	[sflag:s8] =	ssyncset.s32 @!p0 $0xFFFFF086;
	s6 =	sadd.s32 @!p0 s3, s7;
	s7 =	simm.s32 @!p0 $0x108  }
0x21: {  	s3 =	sadd.s32 s3, s9;
	s6 =	sadd.s32 @!p0 $0x88, s6;
	s7 =	simm.s32 @p2 $0x1082  }
0x22: {  	[simem:s7], [sflag:s8] =	dma.local @!p0 [hbm:s6], $0xF7A  }
0x23: {  	s9 =	sor.u32 $0xD0000000, s2;
	s6 =	simm.s32 $0x108;
	_ =	swait.ge @!p0 [sflag:s8], $0x0  }
0x24: {  	s3 =	sadd.s32 $0x88, s3;
	s6 =	simm.s32 @!p1 $0x1082;
	[sflag:s4] =	ssyncset.s32 $0xFFFFF086  }
0x25: {  	[simem:s6], [sflag:s4] =	dma.local [hbm:s3], $0xF7A  }
0x26: {  	[smem:$0x3F9B] =	sst s1;
	(tag) =	ssettag s2;
	_ =	strace s9  }
0x27: {  	s1 =	sld [smem:$0x3FAB]  }
0x28: {  	s2 =	sld [smem:$0x3FAC]  }
0x29: {  	s4 =	sld [smem:$0x3FAE]  }
0x2a: {  	p0 =	seq.s32 s5, $0x0;
	s5 =	sld [smem:$0x3FAF]  }
0x2b: {  	s6 =	sld [smem:$0x3FB0]  }
0x2c: {  	s7 =	sld [smem:$0x3FB1]  }
0x2d: {  	s3 =	simm.s32 $0x108;
	s8 =	sld [smem:$0x3FB2]  }
0x2e: {  	s3 =	simm.s32 @!p0 $0x1082;
	s9 =	sld [smem:$0x3FB3]  }
0x2f: {  	lr =	sadd.s32 s0, s3;
	s0 =	sld [smem:$0x3FAA]  }
0x30: {  	s3 =	sld [smem:$0x3FAD]  }
0x31: {  	[smem:$0x3FB6] =	sst s10  }
0x32: {  	s10 =	sld [smem:$0x3FB4];
	_ =	sdelay $0x3  }
0x33: {  	p0 =	seq.s32 s10, $0x1;
	s10 =	sld [smem:$0x3FB6];
	_ =	sdelay $0x3  }
0x34: {  	[smem:$0x3FB6] =	sst s10  }
0x35: {  	s10 =	sld [smem:$0x3FB5];
	_ =	sdelay $0x3  }
0x36: {  	p1 =	seq.s32 s10, $0x1;
	s10 =	sld [smem:$0x3FB6];
	_ =	sdelay $0x3  }
0x37: {  	[smem:$0x3FB6] =	sst s10  }
0x38: {  	s10 =	sld [smem:$0x3FB7]  }
0x39: {  	_ = 	snop;
	(pc) =	sbr.ind lr, $3  }
0x3a: {  	_ = 	snop  }
0x3b: {  	_ = 	snop  }
0x3c: {  	p2 =	seq.s32 s10, $0x1;
	s10 =	sld [smem:$0x3FB6]  }
0x3d: {  	_ =	shalt  }
0x3e: {  	_ =	shalt  }
0x3f: {  	_ =	shalt  }
0x40: {  	_ =	shalt  }
0x41: {  	_ =	shalt  }
0x42: {  	_ =	shalt  }
0x43: {  	_ =	shalt  }
0x44: {  	_ =	shalt  }
0x45: {  	_ =	shalt  }
0x46: {  	_ =	shalt  }
0x47: {  	_ =	shalt  }
0x48: {  	_ =	shalt  }
0x49: {  	_ =	shalt  }
0x4a: {  	_ =	shalt  }
0x4b: {  	_ =	shalt  }
0x4c: {  	_ =	shalt  }
0x4d: {  	_ =	shalt  }
0x4e: {  	_ =	shalt  }
0x4f: {  	_ =	shalt  }
0x50: {  	_ =	shalt  }
0x51: {  	_ =	shalt  }
0x52: {  	_ =	shalt  }
0x53: {  	_ =	shalt  }
0x54: {  	_ =	shalt  }
0x55: {  	_ =	shalt  }
0x56: {  	_ =	shalt  }
0x57: {  	_ =	shalt  }
0x58: {  	_ =	shalt  }
0x59: {  	_ =	shalt  }
0x5a: {  	_ =	shalt  }
0x5b: {  	_ =	shalt  }
0x5c: {  	_ =	shalt  }
0x5d: {  	_ =	shalt  }
0x5e: {  	_ =	shalt  }
0x5f: {  	_ =	shalt  }
0x60: {  	_ =	shalt  }
0x61: {  	_ =	shalt  }
0x62: {  	_ =	shalt  }
0x63: {  	_ =	shalt  }
0x64: {  	_ =	shalt  }
0x65: {  	_ =	shalt  }
0x66: {  	_ =	shalt  }
0x67: {  	_ =	shalt  }
0x68: {  	_ =	shalt  }
0x69: {  	_ =	shalt  }
0x6a: {  	_ =	shalt  }
0x6b: {  	_ =	shalt  }
0x6c: {  	_ =	shalt  }
0x6d: {  	_ =	shalt  }
0x6e: {  	_ =	shalt  }
0x6f: {  	_ =	shalt  }
0x70: {  	_ =	shalt  }
0x71: {  	_ =	shalt  }
0x72: {  	_ =	shalt  }
0x73: {  	_ =	shalt  }
0x74: {  	_ =	shalt  }
0x75: {  	_ =	shalt  }
0x76: {  	_ =	shalt  }
0x77: {  	_ =	shalt  }
0x78: {  	_ =	shalt  }
0x79: {  	_ =	shalt  }
0x7a: {  	_ =	shalt  }
0x7b: {  	_ =	shalt  }
0x7c: {  	_ =	shalt  }
0x7d: {  	_ =	shalt  }
0x7e: {  	_ =	shalt  }
0x7f: {  	_ =	shalt  }
0x80: {  	_ =	shalt  }
0x81: {  	_ =	shalt  }
0x82: {  	_ =	shalt  }
0x83: {  	_ =	shalt  }
0x84: {  	_ =	shalt  }
0x85: {  	_ =	shalt  }
0x86: {  	_ =	shalt  }
0x87: {  	_ =	shalt  }
.Lfunc_end0:
.L_simem_size_0:
called_computation.2_lowered:
.L_overlay_start_0:
0x88: {  	s2 =	sld [smem:$0x3FD9]  }
0x89: {  	s3 =	sld [smem:$0x3FFE];
	_ =	sdelay $0x1  }
0x8a: {  	s1 =	srdreg.scid  }
0x8b: {  	s0 =	sand.u32 $0x1, s1  }
0x8c: {  	s17 =	sshll.u32 s0, $0xA;
	s2 =	sadd.s32 s3, s2  }
0x8d: {  	s2 =	sadd.s32 s2, s17  }
0x8e: {  	[smem:$0x3FC2] =	sst s2  }
0x8f: {  	_ = 	snop  }
0x90: {  	s2 =	sld [smem:$0x3FC6];
	(tm) =	ssettm $0x1  }
0x91: {  	s18 =	sld [smem:$0x3FFB];
	_ =	sdelay $0x3  }
0x92: {  	_ =	strace s18  }
0x93: {  	s3 =	sld [smem:$0x3FFC];
	_ =	sdelay $0x3  }
0x94: {  	_ =	strace s3  }
0x95: {  	s3 =	sld [smem:$0x3FFD];
	_ =	sdelay $0x3  }
0x96: {  	_ =	strace s3  }
0x97: {  	_ =	strace $0x8FFFFFFF  }
0x98: {  	s19 =	sld [smem:$0x3FDB];
	_ =	sdelay $0x1  }
0x99: {  	s4 =	simm.s32 $_scs_section_size  }
0x9a: {  	s5 =	simm.s32 $_size__tile_overlayer_lowered;
	s6 =	simm.s32 $_tile_overlayer_lowered  }
0x9b: {  	s22 =	simm.s32 $0x1BFF;
	s21 =	sshll.u32 s6, $0x1;
	s3 =	sadd.s32 s4, s19  }
0x9c: {  	s7 =	simm.s32 $0x0;
	s20 =	sshll.u32 s5, $0x1;
	s5 =	sadd.s32 s21, s3  }
0x9d: {  	[timem:s7], [sflag:s22] =	dma.local [hbm:s5], s20  }
0x9e: {  	_ =	swait.ge [sflag:s22], s20  }
0x9f: {  	s4 =	ssub.s32 $0x0, s20;
	[sflag:s22] =	ssyncset.done $0x0  }
0xa0: {  	[sflag:s22] =	ssyncadd.s32 s4;
	_ =	sdelay $0x1  }
0xa1: {  	s23 =	simm.s32 $0x1B8B  }
0xa2: {  	_ =	swait.ge [sflag:s23], $0x1  }
0xa3: {  	[sflag:s23] =	ssyncset.done $0x0  }
0xa4: {  	s25 =	simm.s32 $0x1B8E;
	s24 =	sld [smem:$0x3FFE];
	[sflag:s23] =	ssyncadd.s32 $0xFFFFFFFF  }
0xa5: {  	s26 =	simm.s32 $execute0_lowered;
	[smem:$0x3FD2] =	sst s25  }
0xa6: {  	s5 =	sshll.u32 s26, $0x1;
	_ =	strace $0x8000004C;
	[dreg:$0x1] =	wrdreg $0xFFFFFFFF  }
0xa7: {  	s28 =	simm.s32 $_size_execute0_lowered;
	s3 =	sadd.s32 s3, s5;
	[dreg:$0x0] =	wrdreg $0x0  }
0xa8: {  	s5 =	sshll.u32 s28, $0x1;
	[dreg:$0x2] =	wrdreg s3  }
0xa9: {  	[dreg:$0x3] =	wrdreg s5  }
0xaa: {  	[dreg:$0x4] =	wrdreg $0xC0  }
0xab: {  	_ =	task [dreg:s7], $0x5FFFF  }
0xac: {  	[dreg:$0x1] =	wrdreg $0xFFFFFFFF  }
0xad: {  	[dreg:$0x0] =	wrdreg $0x60  }
0xae: {  	[dreg:$0x2] =	wrdreg s24  }
0xaf: {  	[dreg:$0x3] =	wrdreg s2  }
0xb0: {  	[dreg:$0x4] =	wrdreg $0x107100  }
0xb1: {  	[dreg:$0x5] =	wrdreg $0x12E900  }
0xb2: {  	[dreg:$0x6] =	wrdreg $0x9  }
0xb3: {  	_ =	task.clear_ibuf [dreg:s7], $0x7FFFF;
	_ =	strace $0x9000004C  }
0xb4: {  	s29 =	simm.s32 $0x9;
	_ =	strace $0x8000004E  }
0xb5: {  	_ =	swait.ge [sflag:s29], $0x1  }
0xb6: {  	[sflag:s29] =	ssyncadd.s32 $0xFFFFFFFF  }
0xb7: {  	_ =	strace $0x9000004E  }
0xb8: {  	_ =	sfence  }
0xb9: {  	s30 =	sld [smem:$0x0];
	_ =	sdelay $0x2  }
0xba: {  	s31 =	sshll.u32 s1, $0xD;
	s1 =	sshrl.u32 s1, $0x2  }
0xbb: {  	s3 =	sand.u32 $0x4000, s31;
	s1 =	sadd.s32 s1, s30  }
0xbc: {  	s0 =	sor.u32 s3, s0;
	s1 =	sshll.u32 s1, $0x11  }
0xbd: {  	s0 =	sor.u32 s1, s0  }
0xbe: {  	s0 =	sadd.s32 $0x8F2B, s0  }
0xbf: {  	[sflag:s0] =	ssyncadd.remote.s32 $0x1  }
0xc0: {  	_ =	sfence.sel $0xFFFF  }
0xc1: {  	[dreg:$0x0] =	wrdreg $0xFFFFFFFF;
	(pc) =	sbr.abs _section_cstart, $3  }
0xc2: {  	[dreg:$0x1] =	wrdreg $0xFFFFFFFF  }
0xc3: {  	_ =	task.clear_ibuf [dreg:s7], $0x2FFFF;
	_ =	strace $0x9FFFFFFF  }
0xc4: {  	(tm) =	ssettm $0x7FFFFFFF  }
0xc5: {  	_ =	shalt  }
tec
execute0_lowered:
.L_overlay_start_1:
0x0: {  	(tag) =	ssettag $0x1  }
0x1: {  	s1 =	rddreg [dreg:$0x0]  }
0x2: {  	s0 =	srdreg.scid;
	s3 =	rddreg [dreg:$0x2]  }
0x3: {  	s16 =	stileid.u32;
	s4 =	rddreg [dreg:$0x3]  }
0x4: {  	s5 =	simm.s32 $0x0;
	s15 =	simm.s32 $0x4;
	s28 =	simm.s32 $0x100  }
0x5: {  	s29 =	simm.s32 $0x6100;
	s30 =	simm.s32 $0x1;
	s31 =	simm.s32 $0x2  }
0x6: {  	s17 =	simm.s32 $0x0;
	s0 =	sand.u32 $0x1, s0;
	s6 =	smul.u32 $0x278, s16  }
0x7: {  	[smem:$0x7FF] =	sst s5;
	s12 =	smul.u32 $0x2780, s16;
	s26 =	sshll.u32 s16, $0x6  }
0x8: {  	s2 =	sshll.u32 s0, $0x4;
	s7 =	smul.u32 $0x2780, s0;
	_ =	strace $0x8000004D  }
0x9: {  	s0 =	ssub.s32 $0x2, s0;
	s21 =	sor.u32 $0x1C04, s26;
	s26 =	simm.s32 $0x5900  }
0xa: {  	s2 =	sor.u32 s16, s2;
	s23 =	sshrl.u32 s12, $0x3;
	s24 =	sshrl.u32 s0, $0x1  }
0xb: {  	s25 =	sadd.s32 s12, s3;
	s12 =	sadd.s32 s12, s4;
	s16 =	simm.s32 $0x5080  }
0xc: {  	s2 =	smul.u32 $0x510, s2;
	s6 =	sadd.s32 s6, s7;
	s11 =	sadd.s32 s23, s1  }
0xd: {  	s0 =	ssub.s32 s0, s24;
	s22 =	sshrl.u32 s25, $0x3;
	s24 =	simm.s32 $0x80  }
0xe: {  	s25 =	simm.s32 $0x5100;
	s6 =	sshll.u32 s6, $0x1;
	s8 =	sadd.s32 $0x29A00, s11  }
0xf: {  	s9 =	sadd.s32 $0x2E900, s11;
	s11 =	sadd.s32 $0xBA00, s11;
	s14 =	smax.u32 s0, $0x1  }
0x10: {  	s0 =	simm.s32 $0x4F80;
	s2 =	sadd.s32 s2, s1;
	s1 =	sadd.s32 s6, s1  }
0x11: {  	s6 =	sadd.s32 $0x1F800, s2;
	s7 =	sadd.s32 $0x1800, s2;
	s10 =	sadd.s32 $0x33800, s1  }
0x12: {  	s13 =	sadd.s32 $0x3D600, s1;
	s1 =	simm.s32 $0x3;
	s2 =	simm.s32 $0x5000  }
.LBB2_1:
0x13: {  	[tilespmem:s5], [sflag:$0x4] =	stream.linear.gather [hbm4b:s6+s5], $0x2880, $0x38;
	[tilespmem:$0x15610] =	vst v63  }
0x14: {  	_ =	swait.ge [sflag:s15], $0x2880  }
0x15: {  	[sflag:s15] =	ssyncset.done $0x0  }
0x16: {  	s18 =	simm.s32 $0x2880;
	[sflag:s15] =	ssyncadd.s32 $0xFFFFD780  }
0x17: {  	[tilespmem:s18], [sflag:$0x4] =	stream.linear.gather [hbm4b:s7+s5], $0x2880, $0x38;
	[tilespmem:$0x15610] =	vst v63  }
0x18: {  	_ =	swait.ge [sflag:s15], $0x2880  }
0x19: {  	[sflag:s15] =	ssyncset.done $0x0  }
0x1a: {  	s23 =	simm.s32 $0x6900;
	[sflag:s15] =	ssyncadd.s32 $0xFFFFD780  }
0x1b: {  	[tilespmem:s23], [sflag:$0x4] =	stream.linear.gather [hbm4b:s8+s5], $0x2780, $0x38;
	[tilespmem:$0x15610] =	vst v63  }
0x1c: {  	_ =	swait.ge [sflag:s15], $0x2780  }
0x1d: {  	[sflag:s15] =	ssyncset.done $0x0  }
0x1e: {  	s19 =	simm.s32 $0x9080;
	[sflag:s15] =	ssyncadd.s32 $0xFFFFD880  }
0x1f: {  	[tilespmem:s19], [sflag:$0x4] =	stream.linear.gather [hbm4b:s9+s5], $0x2780, $0x38;
	[tilespmem:$0x15610] =	vst v63  }
0x20: {  	_ =	swait.ge [sflag:s15], $0x2780  }
0x21: {  	[sflag:s15] =	ssyncset.done $0x0  }
0x22: {  	s20 =	simm.s32 $0xB800;
	[sflag:s15] =	ssyncadd.s32 $0xFFFFD880  }
0x23: {  	[tilespmem:s20], [sflag:$0x4] =	stream.linear.gather [hbm4b:s10+s5], $0x2780, $0x38;
	[tilespmem:$0x15610] =	vst v63  }
0x24: {  	_ =	swait.ge [sflag:s15], $0x2780  }
0x25: {  	[sflag:s15] =	ssyncset.done $0x0  }
0x26: {  	[sflag:s15] =	ssyncadd.s32 $0xFFFFD880  }
0x27: {  	s19 =	simm.s32 $0x10700;
	s23 =	rddreg [dreg:$0x1]  }
0x28: {  	[tilespmem:s19], [sflag:$0x4] =	stream.linear.gather [hbm4b:s23+s5], $0x10, $0x38;
	[tilespmem:$0x15610] =	vst v63  }
0x29: {  	_ =	swait.ge [sflag:s15], $0x10  }
0x2a: {  	[sflag:s15] =	ssyncset.done $0x0  }
0x2b: {  	[sflag:s15] =	ssyncadd.s32 $0xFFFFFFF0  }
0x2c: {  	[spmem:s22], [sflag:s21] =	dma.local [hbm:s11], $0x4F0  }
0x2d: {  	_ =	swait.ge [sflag:s15], $0x4F0  }
0x2e: {  	[sflag:s15] =	ssyncset.done $0x0  }
0x2f: {  	s18 =	simm.s32 $0x0;
	[sflag:s15] =	ssyncadd.s32 $0xFFFFFB10  }
0x30: {  	v2 =	vld [tilespmem:s18+$0x6900]  }
0x31: {  	v3 =	vld [tilespmem:s18+$0x9080];
	_ =	sdelay $0x1  }
0x32: {  	v0 =	vld [tilespmem:s18+$0xB800];
	_ =	sdelay $0x1  }
0x33: {  	s19 =	simm.s32 $0x10;
	v1 =	vld [tilespmem:$0x10700]  }
0x34: {  	v4 =	vld [tilespmem:s19+$0x9080];
	v2 =	vadd.f32 v3, v2  }
0x35: {  	v3 =	vld [tilespmem:s19+$0x6900]  }
0x36: {  	v5 =	vmul.f32 v2, v0  }
0x37: {  	v2 =	vld [tilespmem:s19+$0xB800]  }
0x38: {  	s20 =	simm.s32 $0x80;
	v5 =	vadd.f32 v5, v1  }
.LBB2_2:
0x39: {  	s23 =	sshra.s32 s20, $0x2;
	p0 =	sne.s32 s20, $0x9DC0  }
.Ltmp0:
0x3a: {  	s20 =	sadd.s32 $0x40, s20;
	v6 =	vadd.f32 v4, v3;
	v3 =	vld [tilespmem:s23+$0x6900];
	v5 =	vmax.f32 v5, $0.0e+00;
	(pc) =	sbr.rel @p0 .LBB2_2-.Ltmp0, $4  }
0x3b: {  	v4 =	vld [tilespmem:s23+$0x9080];
	v5 =	vmul.f32 v5, v0  }
0x3c: {  	v6 =	vmul.f32 v6, v2;
	v0 =	vmov v2  }
0x3d: {  	v2 =	vld [tilespmem:s23+$0xB800];
	[tilespmem:s18+$0xDF80] =	vst v5;
	s18 =	smov.u32 s19;
	s19 =	smov.u32 s23  }
0x3e: {  	v5 =	vadd.f32 v6, v1  }
0x3f: {  	_ = 	snop  }
0x40: {  	v3 =	vadd.f32 v4, v3;
	_ =	sdelay $0x1  }
0x41: {  	v3 =	vmul.f32 v3, v2;
	_ =	sdelay $0x1  }
0x42: {  	v1 =	vadd.f32 v3, v1  }
0x43: {  	v63 =	vmax.f32 v5, $0.0e+00  }
0x44: {  	v0 =	vmul.f32 v63, v0;
	v1 =	vmax.f32 v1, $0.0e+00  }
0x45: {  	v1 =	vmul.f32 v1, v2  }
0x46: {  	[tilespmem:s18+$0xDF80] =	vst v0  }
0x47: {  	s23 =	simm.s32 $0xDF80;
	[tilespmem:s19+$0xDF80] =	vst v1  }
0x48: {  	[spmem:s12] =	stream.linear.scatter [tilespmem:s23], [sflag:$0x4], $0x2780, $0x38;
	[tilespmem:$0x15610] =	vst v63  }
0x49: {  	_ =	swait.ge [sflag:s15], $0x2780  }
0x4a: {  	[sflag:s15] =	ssyncset.done $0x0  }
0x4b: {  	[sflag:s15] =	ssyncadd.s32 $0xFFFFD880  }
0x4c: {  	s19 =	simm.s32 $0x0;
	[bflag:$0x0] =	sbarrier.arrive $0xFFFF  }
0x4d: {  	[tilespmem:s25], [sflag:$0x1] =	stream.indirect.gather [spmem:s4], $0x10, s19, s24, $0xb8;
	[tilespmem:$0x15610] =	vst v63  }
0x4e: {  	_ = 	snop  }
0x4f: {  	[tilespmem:s26], [sflag:$0x2] =	stream.indirect.gather [spmem:s4], $0x10, s24, s24, $0xb8;
	[tilespmem:$0x15610] =	vst v63  }
0x50: {  	_ = 	snop  }
0x51: {  	[tilespmem:s29], [sflag:$0x3] =	stream.indirect.gather [spmem:s4], $0x10, s28, s24, $0xb8;
	[tilespmem:$0x15610] =	vst v63  }
0x52: {  	_ =	swait.ge [sflag:s30], $0x800  }
0x53: {  	[sflag:s30] =	ssyncset.done $0x0  }
0x54: {  	s20 =	simm.s32 $0x2880;
	[sflag:s30] =	ssyncadd.s32 $0xFFFFF800  }
0x55: {  	[spmem:s3] =	stream.indirect.scatter.add.f32 [tilespmem:s25], [sflag:$0x4], $0x10, s20, s24, $0xb8;
	[tilespmem:$0x15610] =	vst v63  }
0x56: {  	_ =	swait.ge [sflag:s15], $0x800  }
0x57: {  	[sflag:s15] =	ssyncset.done $0x0  }
0x58: {  	s23 =	simm.s32 $0x180;
	[sflag:s15] =	ssyncadd.s32 $0xFFFFF800  }
0x59: {  	[tilespmem:s25], [sflag:$0x1] =	stream.indirect.gather [spmem:s4], $0x10, s23, s24, $0xb8;
	[tilespmem:$0x15610] =	vst v63  }
0x5a: {  	_ =	swait.ge [sflag:s31], $0x800  }
0x5b: {  	[sflag:s31] =	ssyncset.done $0x0  }
0x5c: {  	s19 =	simm.s32 $0x2900;
	[sflag:s31] =	ssyncadd.s32 $0xFFFFF800  }
0x5d: {  	[spmem:s3] =	stream.indirect.scatter.add.f32 [tilespmem:s26], [sflag:$0x4], $0x10, s19, s24, $0xb8;
	[tilespmem:$0x15610] =	vst v63  }
0x5e: {  	_ =	swait.ge [sflag:s15], $0x800  }
0x5f: {  	[sflag:s15] =	ssyncset.done $0x0  }
0x60: {  	s20 =	simm.s32 $0x200;
	[sflag:s15] =	ssyncadd.s32 $0xFFFFF800  }
0x61: {  	[tilespmem:s26], [sflag:$0x2] =	stream.indirect.gather [spmem:s4], $0x10, s20, s24, $0xb8;
	[tilespmem:$0x15610] =	vst v63  }
0x62: {  	_ =	swait.ge [sflag:s1], $0x800  }
0x63: {  	[sflag:s1] =	ssyncset.done $0x0  }
0x64: {  	s23 =	simm.s32 $0x2980;
	[sflag:s1] =	ssyncadd.s32 $0xFFFFF800  }
0x65: {  	[spmem:s3] =	stream.indirect.scatter.add.f32 [tilespmem:s29], [sflag:$0x4], $0x10, s23, s24, $0xb8;
	[tilespmem:$0x15610] =	vst v63  }
0x66: {  	_ =	swait.ge [sflag:s15], $0x800  }
0x67: {  	[sflag:s15] =	ssyncset.done $0x0  }
0x68: {  	s18 =	simm.s32 $0x600;
	s19 =	simm.s32 $0x280;
	[sflag:s15] =	ssyncadd.s32 $0xFFFFF800  }
.LBB2_4:
0x69: {  	[tilespmem:s29], [sflag:$0x3] =	stream.indirect.gather [spmem:s4], $0x10, s19, s24, $0xb8;
	[tilespmem:$0x15610] =	vst v63  }
0x6a: {  	s19 =	smov.u32 s18  }
0x6b: {  	p0 =	sne.s32 s18, $0x9600;
	s18 =	sadd.s32 $0x600, s18;
	_ =	swait.ge [sflag:s30], $0x800  }
0x6c: {  	s19 =	sshra.s32 s19, $0x2;
	[sflag:s30] =	ssyncset.done $0x0  }
0x6d: {  	s20 =	sadd.s32 $0x2880, s19;
	[sflag:s30] =	ssyncadd.s32 $0xFFFFF800  }
0x6e: {  	[spmem:s3] =	stream.indirect.scatter.add.f32 [tilespmem:s25], [sflag:$0x4], $0x10, s20, s24, $0xb8;
	[tilespmem:$0x15610] =	vst v63  }
0x6f: {  	_ =	swait.ge [sflag:s15], $0x800  }
0x70: {  	[sflag:s15] =	ssyncset.done $0x0  }
0x71: {  	s20 =	sadd.s32 $0x180, s19;
	[sflag:s15] =	ssyncadd.s32 $0xFFFFF800  }
0x72: {  	[tilespmem:s25], [sflag:$0x1] =	stream.indirect.gather [spmem:s4], $0x10, s20, s24, $0xb8;
	[tilespmem:$0x15610] =	vst v63  }
0x73: {  	_ =	swait.ge [sflag:s31], $0x800  }
0x74: {  	[sflag:s31] =	ssyncset.done $0x0  }
0x75: {  	s20 =	sadd.s32 $0x2900, s19;
	[sflag:s31] =	ssyncadd.s32 $0xFFFFF800  }
0x76: {  	[spmem:s3] =	stream.indirect.scatter.add.f32 [tilespmem:s26], [sflag:$0x4], $0x10, s20, s24, $0xb8;
	[tilespmem:$0x15610] =	vst v63  }
0x77: {  	_ =	swait.ge [sflag:s15], $0x800  }
0x78: {  	[sflag:s15] =	ssyncset.done $0x0  }
0x79: {  	s20 =	sadd.s32 $0x200, s19;
	[sflag:s15] =	ssyncadd.s32 $0xFFFFF800  }
0x7a: {  	[tilespmem:s26], [sflag:$0x2] =	stream.indirect.gather [spmem:s4], $0x10, s20, s24, $0xb8;
	[tilespmem:$0x15610] =	vst v63  }
0x7b: {  	_ =	swait.ge [sflag:s1], $0x800  }
0x7c: {  	[sflag:s1] =	ssyncset.done $0x0  }
.Ltmp1:
0x7d: {  	s20 =	sadd.s32 $0x2980, s19;
	[sflag:s1] =	ssyncadd.s32 $0xFFFFF800;
	(pc) =	sbr.rel @p0 .LBB2_4-.Ltmp1, $4  }
0x7e: {  	[spmem:s3] =	stream.indirect.scatter.add.f32 [tilespmem:s29], [sflag:$0x4], $0x10, s20, s24, $0xb8;
	[tilespmem:$0x15610] =	vst v63  }
0x7f: {  	_ =	swait.ge [sflag:s15], $0x800  }
0x80: {  	[sflag:s15] =	ssyncset.done $0x0  }
0x81: {  	s19 =	sadd.s32 $0x280, s19;
	[sflag:s15] =	ssyncadd.s32 $0xFFFFF800  }
0x82: {  	[tilespmem:s29], [sflag:$0x3] =	stream.indirect.gather [spmem:s4], $0x10, s19, s24, $0xb8;
	[tilespmem:$0x15610] =	vst v63  }
0x83: {  	_ =	swait.ge [sflag:s30], $0x800  }
0x84: {  	[sflag:s30] =	ssyncset.done $0x0  }
0x85: {  	[sflag:s30] =	ssyncadd.s32 $0xFFFFF800  }
0x86: {  	[spmem:s3] =	stream.indirect.scatter.add.f32 [tilespmem:s25], [sflag:$0x4], $0x10, s0, s24, $0xb8;
	[tilespmem:$0x15610] =	vst v63  }
0x87: {  	_ =	swait.ge [sflag:s15], $0x800  }
0x88: {  	[sflag:s15] =	ssyncset.done $0x0  }
0x89: {  	[sflag:s15] =	ssyncadd.s32 $0xFFFFF800  }
0x8a: {  	_ =	swait.ge [sflag:s31], $0x800  }
0x8b: {  	[sflag:s31] =	ssyncset.done $0x0  }
0x8c: {  	[sflag:s31] =	ssyncadd.s32 $0xFFFFF800  }
0x8d: {  	[spmem:s3] =	stream.indirect.scatter.add.f32 [tilespmem:s26], [sflag:$0x4], $0x10, s2, s24, $0xb8;
	[tilespmem:$0x15610] =	vst v63  }
0x8e: {  	_ =	swait.ge [sflag:s15], $0x800  }
0x8f: {  	[sflag:s15] =	ssyncset.done $0x0  }
0x90: {  	[sflag:s15] =	ssyncadd.s32 $0xFFFFF800  }
0x91: {  	_ =	swait.ge [sflag:s1], $0x800  }
0x92: {  	[sflag:s1] =	ssyncset.done $0x0  }
0x93: {  	[sflag:s1] =	ssyncadd.s32 $0xFFFFF800  }
0x94: {  	[spmem:s3] =	stream.indirect.scatter.add.f32 [tilespmem:s29], [sflag:$0x4], $0x10, s16, s24, $0xb8;
	[tilespmem:$0x15610] =	vst v63  }
0x95: {  	_ =	swait.ge [sflag:s15], $0x800  }
0x96: {  	s17 =	sadd.s32 $0x1, s17;
	[sflag:s15] =	ssyncset.done $0x0  }
0x97: {  	p0 =	sne.s32 s17, s14;
	[sflag:s15] =	ssyncadd.s32 $0xFFFFF800  }
.Ltmp2:
0x98: {  	[bflag:$0x0] =	sbarrier.arrive $0xFFFF;
	(pc) =	sbr.rel @p0 .LBB2_1-.Ltmp2, $4  }
0x99: {  	[hbm:s13], [sflag:s21] =	dma.local [spmem:s22], $0x4F0  }
0x9a: {  	_ =	swait.ge [sflag:s15], $0x4F0  }
0x9b: {  	[sflag:s15] =	ssyncset.done $0x0  }
0x9c: {  	[sflag:s15] =	ssyncadd.s32 $0xFFFFFB10  }
0x9d: {  	_ =	sfence.sel $0x180000  }
0x9e: {  	[bflag:$0x0] =	sbarrier.arrive $0xFFFF  }
0x9f: {  	_ =	strace $0x9000004D  }
0xa0: {  	s0 =	stileid.u32;
	[bflag:$0x2] =	sbarrier.arrive $0xFFFF  }
0xa1: {  	p0 =	sne.s32 s0, $0x0;
	s0 =	rddreg [dreg:$0x4]  }
0xa2: {  	s0 =	sadd.s32 @!p0 $0x100000, s0  }
0xa3: {  	[sflag:s0] =	ssyncadd.tile.s32 @!p0 $0x1;
	_ =	shalt  }
.Lfunc_end2:
_tile_overlayer_lowered:
.L_overlay_start_2:
0xa4: {  	(tag) =	ssettag $0x2  }
0xa5: {  	s0 =	rddreg [dreg:$0x0];
	s2 =	stileid.u32  }
0xa6: {  	s1 =	rddreg [dreg:$0x1];
	p0 =	sne.s32 s2, $0x0  }
0xa7: {  	s3 =	rddreg [dreg:$0x2];
	[bflag:$0x3] =	sbarrier.arrive $0xFFFF;
	s2 =	simm.s32 @!p0 $0x1C04  }
0xa8: {  	[timem:s3], [sflag:s2] =	dma.local @!p0 [hbm:s0], s1  }
0xa9: {  	s0 =	simm.s32 @!p0 $0x4  }
0xaa: {  	_ =	swait.ge @!p0 [sflag:s0], s1  }
0xab: {  	s1 =	ssub.s32 @!p0 $0x0, s1;
	[sflag:s0] =	ssyncset.done @!p0 $0x0  }
0xac: {  	[sflag:s0] =	ssyncadd.s32 @!p0 s1  }
0xad: {  	[bflag:$0x3] =	sbarrier.arrive $0xFFFF  }
0xae: {  	_ =	shalt  }

// kernel: kernel.7.cloned.1.call-start
scs
__scs_entry_jumppad:
0x0: {  	(pc) =	sbr.rel $0x88, $3  }
0x1: {  	(tag) =	ssettag $0x0;
	lr =	simm.s32 $0x1  }
0x2: {  	[smem:$0x3F9B] =	sst lr;
	_ =	strace $0xD0000000  }
0x3: {  	_ = 	snop  }
0x4: {  	_ = 	snop  }
0x5: {  	_ = 	snop  }
0x6: {  	_ = 	snop  }
0x7: {  	_ = 	snop  }
__scs_overlays_trampoline_lowered:
0x8: {  	[smem:$0x3FAA] =	sst s0  }
0x9: {  	[smem:$0x3FAB] =	sst s1  }
0xa: {  	[smem:$0x3FAC] =	sst s2  }
0xb: {  	[smem:$0x3FAD] =	sst s3  }
0xc: {  	[smem:$0x3FAE] =	sst s4  }
0xd: {  	[smem:$0x3FAF] =	sst s5  }
0xe: {  	[smem:$0x3FB0] =	sst s6  }
0xf: {  	[smem:$0x3FB1] =	sst s7  }
0x10: {  	[smem:$0x3FB2] =	sst s8  }
0x11: {  	[smem:$0x3FB3] =	sst s9;
	s0 =	simm.s32 @!p0 $0x0  }
0x12: {  	s1 =	sld [smem:$0x3F99];
	s0 =	simm.s32 @p0 $0x1  }
0x13: {  	[smem:$0x3FB4] =	sst s0;
	s0 =	simm.s32 @!p1 $0x0  }
0x14: {  	s2 =	sld [smem:$0x3F98];
	s0 =	simm.s32 @p1 $0x1  }
0x15: {  	[smem:$0x3FB5] =	sst s0;
	s0 =	simm.s32 @!p2 $0x0  }
0x16: {  	s3 =	sld [smem:$0x3FDB];
	s0 =	simm.s32 @p2 $0x1  }
0x17: {  	s4 =	simm.s32 $0x1BF5;
	[smem:$0x3FB7] =	sst s0  }
0x18: {  	s0 =	sld [smem:$0x3F9A];
	_ =	swait.ge [sflag:s4], $0x0  }
0x19: {  	s7 =	sld [smem:$0x3F9B]  }
0x1a: {  	s8 =	sadd.s32 $0xFFFFE003, lr  }
0x1b: {  	s9 =	sadd.s32 $0xFFFFFEF7, lr;
	s5 =	simm.s32 $0xFFFFFFFF;
	p2 =	slt.u32 s8, $0xFFFFF086  }
0x1c: {  	p1 =	slt.u32 s9, $0xF7A;
	s5 =	simm.s32 @!p2 $0x0  }
0x1d: {  	s5 =	simm.s32 @p1 $0x1;
	p0 =	seq.s32 s7, s2  }
0x1e: {  	s7 =	smul.u32 @!p0 $0xF7A, s2;
	p2 =	seq.s32 @!p0 s5, $0x0  }
0x1f: {  	s9 =	smul.u32 $0xF7A, s1;
	s8 =	simm.s32 @!p0 $0x1BF5;
	p2 =	por !p2, p0  }
0x20: {  	[sflag:s8] =	ssyncset.s32 @!p0 $0xFFFFF086;
	s6 =	sadd.s32 @!p0 s3, s7;
	s7 =	simm.s32 @!p0 $0x108  }
0x21: {  	s3 =	sadd.s32 s3, s9;
	s6 =	sadd.s32 @!p0 $0x88, s6;
	s7 =	simm.s32 @p2 $0x1082  }
0x22: {  	[simem:s7], [sflag:s8] =	dma.local @!p0 [hbm:s6], $0xF7A  }
0x23: {  	s9 =	sor.u32 $0xD0000000, s2;
	s6 =	simm.s32 $0x108;
	_ =	swait.ge @!p0 [sflag:s8], $0x0  }
0x24: {  	s3 =	sadd.s32 $0x88, s3;
	s6 =	simm.s32 @!p1 $0x1082;
	[sflag:s4] =	ssyncset.s32 $0xFFFFF086  }
0x25: {  	[simem:s6], [sflag:s4] =	dma.local [hbm:s3], $0xF7A  }
0x26: {  	[smem:$0x3F9B] =	sst s1;
	(tag) =	ssettag s2;
	_ =	strace s9  }
0x27: {  	s1 =	sld [smem:$0x3FAB]  }
0x28: {  	s2 =	sld [smem:$0x3FAC]  }
0x29: {  	s4 =	sld [smem:$0x3FAE]  }
0x2a: {  	p0 =	seq.s32 s5, $0x0;
	s5 =	sld [smem:$0x3FAF]  }
0x2b: {  	s6 =	sld [smem:$0x3FB0]  }
0x2c: {  	s7 =	sld [smem:$0x3FB1]  }
0x2d: {  	s3 =	simm.s32 $0x108;
	s8 =	sld [smem:$0x3FB2]  }
0x2e: {  	s3 =	simm.s32 @!p0 $0x1082;
	s9 =	sld [smem:$0x3FB3]  }
0x2f: {  	lr =	sadd.s32 s0, s3;
	s0 =	sld [smem:$0x3FAA]  }
0x30: {  	s3 =	sld [smem:$0x3FAD]  }
0x31: {  	[smem:$0x3FB6] =	sst s10  }
0x32: {  	s10 =	sld [smem:$0x3FB4];
	_ =	sdelay $0x3  }
0x33: {  	p0 =	seq.s32 s10, $0x1;
	s10 =	sld [smem:$0x3FB6];
	_ =	sdelay $0x3  }
0x34: {  	[smem:$0x3FB6] =	sst s10  }
0x35: {  	s10 =	sld [smem:$0x3FB5];
	_ =	sdelay $0x3  }
0x36: {  	p1 =	seq.s32 s10, $0x1;
	s10 =	sld [smem:$0x3FB6];
	_ =	sdelay $0x3  }
0x37: {  	[smem:$0x3FB6] =	sst s10  }
0x38: {  	s10 =	sld [smem:$0x3FB7]  }
0x39: {  	_ = 	snop;
	(pc) =	sbr.ind lr, $3  }
0x3a: {  	_ = 	snop  }
0x3b: {  	_ = 	snop  }
0x3c: {  	p2 =	seq.s32 s10, $0x1;
	s10 =	sld [smem:$0x3FB6]  }
0x3d: {  	_ =	shalt  }
0x3e: {  	_ =	shalt  }
0x3f: {  	_ =	shalt  }
0x40: {  	_ =	shalt  }
0x41: {  	_ =	shalt  }
0x42: {  	_ =	shalt  }
0x43: {  	_ =	shalt  }
0x44: {  	_ =	shalt  }
0x45: {  	_ =	shalt  }
0x46: {  	_ =	shalt  }
0x47: {  	_ =	shalt  }
0x48: {  	_ =	shalt  }
0x49: {  	_ =	shalt  }
0x4a: {  	_ =	shalt  }
0x4b: {  	_ =	shalt  }
0x4c: {  	_ =	shalt  }
0x4d: {  	_ =	shalt  }
0x4e: {  	_ =	shalt  }
0x4f: {  	_ =	shalt  }
0x50: {  	_ =	shalt  }
0x51: {  	_ =	shalt  }
0x52: {  	_ =	shalt  }
0x53: {  	_ =	shalt  }
0x54: {  	_ =	shalt  }
0x55: {  	_ =	shalt  }
0x56: {  	_ =	shalt  }
0x57: {  	_ =	shalt  }
0x58: {  	_ =	shalt  }
0x59: {  	_ =	shalt  }
0x5a: {  	_ =	shalt  }
0x5b: {  	_ =	shalt  }
0x5c: {  	_ =	shalt  }
0x5d: {  	_ =	shalt  }
0x5e: {  	_ =	shalt  }
0x5f: {  	_ =	shalt  }
0x60: {  	_ =	shalt  }
0x61: {  	_ =	shalt  }
0x62: {  	_ =	shalt  }
0x63: {  	_ =	shalt  }
0x64: {  	_ =	shalt  }
0x65: {  	_ =	shalt  }
0x66: {  	_ =	shalt  }
0x67: {  	_ =	shalt  }
0x68: {  	_ =	shalt  }
0x69: {  	_ =	shalt  }
0x6a: {  	_ =	shalt  }
0x6b: {  	_ =	shalt  }
0x6c: {  	_ =	shalt  }
0x6d: {  	_ =	shalt  }
0x6e: {  	_ =	shalt  }
0x6f: {  	_ =	shalt  }
0x70: {  	_ =	shalt  }
0x71: {  	_ =	shalt  }
0x72: {  	_ =	shalt  }
0x73: {  	_ =	shalt  }
0x74: {  	_ =	shalt  }
0x75: {  	_ =	shalt  }
0x76: {  	_ =	shalt  }
0x77: {  	_ =	shalt  }
0x78: {  	_ =	shalt  }
0x79: {  	_ =	shalt  }
0x7a: {  	_ =	shalt  }
0x7b: {  	_ =	shalt  }
0x7c: {  	_ =	shalt  }
0x7d: {  	_ =	shalt  }
0x7e: {  	_ =	shalt  }
0x7f: {  	_ =	shalt  }
0x80: {  	_ =	shalt  }
0x81: {  	_ =	shalt  }
0x82: {  	_ =	shalt  }
0x83: {  	_ =	shalt  }
0x84: {  	_ =	shalt  }
0x85: {  	_ =	shalt  }
0x86: {  	_ =	shalt  }
0x87: {  	_ =	shalt  }
.Lfunc_end0:
.L_simem_size_0:
called_computation_lowered:
.L_overlay_start_0:
0x88: {  	s2 =	sld [smem:$0x3FD9]  }
0x89: {  	s3 =	sld [smem:$0x3FFE];
	_ =	sdelay $0x1  }
0x8a: {  	s1 =	srdreg.scid  }
0x8b: {  	s0 =	sand.u32 $0x1, s1  }
0x8c: {  	s17 =	sshll.u32 s0, $0xA;
	s2 =	sadd.s32 s3, s2  }
0x8d: {  	s2 =	sadd.s32 s2, s17  }
0x8e: {  	[smem:$0x3FC2] =	sst s2  }
0x8f: {  	_ = 	snop  }
0x90: {  	s2 =	sld [smem:$0x3FD0];
	(tm) =	ssettm $0x1  }
0x91: {  	s18 =	sld [smem:$0x3FFB];
	_ =	sdelay $0x3  }
0x92: {  	_ =	strace s18  }
0x93: {  	s3 =	sld [smem:$0x3FFC];
	_ =	sdelay $0x3  }
0x94: {  	_ =	strace s3  }
0x95: {  	s3 =	sld [smem:$0x3FFD];
	_ =	sdelay $0x3  }
0x96: {  	_ =	strace s3  }
0x97: {  	_ =	strace $0x8FFFFFFF  }
0x98: {  	s19 =	sld [smem:$0x3FDB];
	_ =	sdelay $0x1  }
0x99: {  	s4 =	simm.s32 $_scs_section_size  }
0x9a: {  	s5 =	simm.s32 $_size__tile_overlayer_lowered;
	s6 =	simm.s32 $_tile_overlayer_lowered  }
0x9b: {  	s22 =	simm.s32 $0x1BFF;
	s21 =	sshll.u32 s6, $0x1;
	s3 =	sadd.s32 s4, s19  }
0x9c: {  	s7 =	simm.s32 $0x0;
	s20 =	sshll.u32 s5, $0x1;
	s5 =	sadd.s32 s21, s3  }
0x9d: {  	[timem:s7], [sflag:s22] =	dma.local [hbm:s5], s20  }
0x9e: {  	_ =	swait.ge [sflag:s22], s20  }
0x9f: {  	s4 =	ssub.s32 $0x0, s20;
	[sflag:s22] =	ssyncset.done $0x0  }
0xa0: {  	[sflag:s22] =	ssyncadd.s32 s4;
	_ =	sdelay $0x1  }
0xa1: {  	s23 =	simm.s32 $0x1B8B  }
0xa2: {  	_ =	swait.ge [sflag:s23], $0x1  }
0xa3: {  	[sflag:s23] =	ssyncset.done $0x0  }
0xa4: {  	s25 =	simm.s32 $0x1B8E;
	s24 =	sld [smem:$0x3FFE];
	[sflag:s23] =	ssyncadd.s32 $0xFFFFFFFF  }
0xa5: {  	s26 =	simm.s32 $execute0_lowered;
	[smem:$0x3FD2] =	sst s25  }
0xa6: {  	s5 =	sshll.u32 s26, $0x1;
	_ =	strace $0x80000046;
	[dreg:$0x1] =	wrdreg $0xFFFFFFFF  }
0xa7: {  	s28 =	simm.s32 $_size_execute0_lowered;
	s3 =	sadd.s32 s3, s5;
	[dreg:$0x0] =	wrdreg $0x0  }
0xa8: {  	s5 =	sshll.u32 s28, $0x1;
	[dreg:$0x2] =	wrdreg s3  }
0xa9: {  	[dreg:$0x3] =	wrdreg s5  }
0xaa: {  	[dreg:$0x4] =	wrdreg $0xC0  }
0xab: {  	_ =	task [dreg:s7], $0x5FFFF  }
0xac: {  	[dreg:$0x1] =	wrdreg $0xFFFFFFFF  }
0xad: {  	[dreg:$0x0] =	wrdreg $0x60  }
0xae: {  	[dreg:$0x2] =	wrdreg s24  }
0xaf: {  	[dreg:$0x3] =	wrdreg s2  }
0xb0: {  	[dreg:$0x4] =	wrdreg $0x30800  }
0xb1: {  	[dreg:$0x5] =	wrdreg $0x9  }
0xb2: {  	_ =	task.clear_ibuf [dreg:s7], $0x6FFFF;
	_ =	strace $0x90000046  }
0xb3: {  	s29 =	simm.s32 $0x9;
	_ =	strace $0x80000048  }
0xb4: {  	_ =	swait.ge [sflag:s29], $0x1  }
0xb5: {  	[sflag:s29] =	ssyncadd.s32 $0xFFFFFFFF  }
0xb6: {  	_ =	strace $0x90000048  }
0xb7: {  	_ =	sfence  }
0xb8: {  	s30 =	sld [smem:$0x0];
	_ =	sdelay $0x2  }
0xb9: {  	s31 =	sshll.u32 s1, $0xD;
	s1 =	sshrl.u32 s1, $0x2  }
0xba: {  	s3 =	sand.u32 $0x4000, s31;
	s1 =	sadd.s32 s1, s30  }
0xbb: {  	s0 =	sor.u32 s3, s0;
	s1 =	sshll.u32 s1, $0x11  }
0xbc: {  	s0 =	sor.u32 s1, s0  }
0xbd: {  	s0 =	sadd.s32 $0x8F2B, s0  }
0xbe: {  	[sflag:s0] =	ssyncadd.remote.s32 $0x1  }
0xbf: {  	_ =	sfence.sel $0xFFFF  }
0xc0: {  	[dreg:$0x0] =	wrdreg $0xFFFFFFFF;
	(pc) =	sbr.abs _section_cstart, $3  }
0xc1: {  	[dreg:$0x1] =	wrdreg $0xFFFFFFFF  }
0xc2: {  	_ =	task.clear_ibuf [dreg:s7], $0x2FFFF;
	_ =	strace $0x9FFFFFFF  }
0xc3: {  	(tm) =	ssettm $0x7FFFFFFF  }
tec
execute0_lowered:
.L_overlay_start_1:
0x0: {  	(tag) =	ssettag $0x1  }
0x1: {  	s6 =	rddreg [dreg:$0x0]  }
0x2: {  	s2 =	rddreg [dreg:$0x1]  }
0x3: {  	s0 =	srdreg.scid;
	s3 =	rddreg [dreg:$0x2]  }
0x4: {  	s4 =	simm.s32 $0x0;
	s5 =	sand.u32 $0x1, s0;
	s0 =	stileid.u32  }
0x5: {  	s13 =	simm.s32 $0x80;
	s14 =	simm.s32 $0x1;
	s8 =	smul.u32 $0x2780, s0  }
0x6: {  	s15 =	simm.s32 $0x0;
	[smem:$0x7FF] =	sst s4;
	s9 =	smul.u32 $0x4F0, s0  }
0x7: {  	s1 =	sshll.u32 s5, $0x4;
	s10 =	smul.u32 $0x4F00, s5;
	s5 =	ssub.s32 $0x2, s5  }
0x8: {  	s31 =	sshll.u32 s0, $0x6;
	s1 =	sor.u32 s0, s1;
	s30 =	sshrl.u32 s5, $0x1  }
0x9: {  	s7 =	smul.u32 $0x510, s1;
	s1 =	rddreg [dreg:$0x3];
	_ =	strace $0x80000047  }
0xa: {  	s11 =	sshrl.u32 s8, $0x3;
	s9 =	sadd.s32 s9, s10;
	s10 =	ssub.s32 s5, s30  }
0xb: {  	s12 =	sadd.s32 s8, s3;
	s11 =	sadd.s32 s11, s6;
	s9 =	sadd.s32 s9, s6  }
0xc: {  	s8 =	smax.u32 s10, $0x1;
	s10 =	simm.s32 $0x2880;
	s12 =	sshrl.u32 s12, $0x3  }
0xd: {  	s7 =	sadd.s32 s7, s6;
	s6 =	sadd.s32 $0xBA00, s11;
	s11 =	sor.u32 $0x1C02, s31  }
0xe: {  	s5 =	sadd.s32 $0x1800, s7;
	s7 =	sadd.s32 $0x10A00, s9;
	s9 =	simm.s32 $0x2  }
.LBB2_1:
0xf: {  	[tilespmem:s4], [sflag:$0x2] =	stream.linear.gather [hbm4b:s5+s4], $0x2880, $0x38;
	[tilespmem:$0x5800] =	vst v63  }
0x10: {  	_ =	swait.ge [sflag:s9], $0x2880  }
0x11: {  	[sflag:s9] =	ssyncset.done $0x0  }
0x12: {  	[sflag:s9] =	ssyncadd.s32 $0xFFFFD780  }
0x13: {  	[tilespmem:s10], [sflag:$0x2] =	stream.linear.gather [hbm4b:s2+s4], $0x800, $0x38;
	[tilespmem:$0x5800] =	vst v63  }
0x14: {  	_ =	swait.ge [sflag:s9], $0x800  }
0x15: {  	[sflag:s9] =	ssyncset.done $0x0  }
0x16: {  	[sflag:s9] =	ssyncadd.s32 $0xFFFFF800  }
0x17: {  	[spmem:s12], [sflag:s11] =	dma.local [hbm:s6], $0x4F0  }
0x18: {  	_ =	swait.ge [sflag:s9], $0x4F0  }
0x19: {  	[sflag:s9] =	ssyncset.done $0x0  }
0x1a: {  	p0 =	por $0x1, $0x1;
	[sflag:s9] =	ssyncadd.s32 $0xFFFFFB10  }
0x1b: {  	s18 =	simm.s32 @!p0 $0x1;
	[bflag:$0x0] =	sbarrier.arrive $0xFFFF  }
0x1c: {  	[spmem:s3] =	stream.indirect.scatter.add.f32 [tilespmem:s10], [sflag:$0x1], $0x10, s4, s13, $0xb8;
	[tilespmem:$0x5800] =	vst v63  }
0x1d: {  	_ =	swait.ge @!p0 [sflag:s18], $0x800  }
0x1e: {  	s16 =	simm.s32 $0x1;
	s17 =	simm.s32 $0x0;
	[sflag:s18] =	ssyncset.done @!p0 $0x0  }
.LBB2_2:
0x1f: {  	[sflag:s18] =	ssyncadd.s32 @!p0 $0xFFFFF800  }
0x20: {  	s17 =	sadd.s32 $0x80, s17;
	s18 =	smov.u32 s16;
	s16 =	sadd.s32 $0x1, s16  }
0x21: {  	p1 =	sne.s32 s16, $0x51  }
0x22: {  	[spmem:s3] =	stream.indirect.scatter.add.f32 [tilespmem:s10], [sflag:$0x1], $0x10, s17, s13, $0xb8;
	[tilespmem:$0x5800] =	vst v63  }
.Ltmp0:
0x23: {  	_ = 	snop;
	(pc) =	sbr.rel @p1 .LBB2_2-.Ltmp0, $4  }
0x24: {  	p0 =	slt.u32 s18, $0x8  }
0x25: {  	s18 =	simm.s32 @!p0 $0x1  }
0x26: {  	_ =	swait.ge @!p0 [sflag:s18], $0x800  }
0x27: {  	[sflag:s18] =	ssyncset.done @!p0 $0x0  }
0x28: {  	[sflag:s18] =	ssyncadd.s32 @!p0 $0xFFFFF800  }
0x29: {  	_ =	swait.ge [sflag:s14], $0x800  }
0x2a: {  	[sflag:s14] =	ssyncset.done $0x0  }
0x2b: {  	[sflag:s14] =	ssyncadd.s32 $0xFFFFF800  }
0x2c: {  	_ =	swait.ge [sflag:s14], $0x800  }
0x2d: {  	[sflag:s14] =	ssyncset.done $0x0  }
0x2e: {  	[sflag:s14] =	ssyncadd.s32 $0xFFFFF800  }
0x2f: {  	_ =	swait.ge [sflag:s14], $0x800  }
0x30: {  	[sflag:s14] =	ssyncset.done $0x0  }
0x31: {  	[sflag:s14] =	ssyncadd.s32 $0xFFFFF800  }
0x32: {  	_ =	swait.ge [sflag:s14], $0x800  }
0x33: {  	[sflag:s14] =	ssyncset.done $0x0  }
0x34: {  	[sflag:s14] =	ssyncadd.s32 $0xFFFFF800  }
0x35: {  	_ =	swait.ge [sflag:s14], $0x800  }
0x36: {  	[sflag:s14] =	ssyncset.done $0x0  }
0x37: {  	[sflag:s14] =	ssyncadd.s32 $0xFFFFF800  }
0x38: {  	_ =	swait.ge [sflag:s14], $0x800  }
0x39: {  	[sflag:s14] =	ssyncset.done $0x0  }
0x3a: {  	[sflag:s14] =	ssyncadd.s32 $0xFFFFF800  }
0x3b: {  	_ =	swait.ge [sflag:s14], $0x800  }
0x3c: {  	[sflag:s14] =	ssyncset.done $0x0  }
0x3d: {  	[sflag:s14] =	ssyncadd.s32 $0xFFFFF800  }
0x3e: {  	_ =	swait.ge [sflag:s14], $0x800  }
0x3f: {  	s15 =	sadd.s32 $0x1, s15;
	[sflag:s14] =	ssyncset.done $0x0  }
0x40: {  	p0 =	sne.s32 s15, s8;
	[sflag:s14] =	ssyncadd.s32 $0xFFFFF800  }
.Ltmp1:
0x41: {  	[bflag:$0x0] =	sbarrier.arrive $0xFFFF;
	(pc) =	sbr.rel @p0 .LBB2_1-.Ltmp1, $4  }
0x42: {  	[hbm:s7], [sflag:s11] =	dma.local [spmem:s12], $0x4F0  }
0x43: {  	_ =	swait.ge [sflag:s9], $0x4F0  }
0x44: {  	[sflag:s9] =	ssyncset.done $0x0  }
0x45: {  	[sflag:s9] =	ssyncadd.s32 $0xFFFFFB10  }
0x46: {  	_ =	sfence.sel $0x180000  }
0x47: {  	[bflag:$0x0] =	sbarrier.arrive $0xFFFF  }
0x48: {  	p0 =	sne.s32 s0, $0x0;
	_ =	strace $0x90000047  }
0x49: {  	s0 =	sadd.s32 @!p0 $0x100000, s1;
	[bflag:$0x2] =	sbarrier.arrive $0xFFFF  }
0x4a: {  	[sflag:s0] =	ssyncadd.tile.s32 @!p0 $0x1;
	_ =	shalt  }
.Lfunc_end2:
_tile_overlayer_lowered:
.L_overlay_start_2:
0x4b: {  	(tag) =	ssettag $0x2  }
0x4c: {  	s0 =	rddreg [dreg:$0x0];
	s2 =	stileid.u32  }
0x4d: {  	s1 =	rddreg [dreg:$0x1];
	p0 =	sne.s32 s2, $0x0  }
0x4e: {  	s3 =	rddreg [dreg:$0x2];
	[bflag:$0x3] =	sbarrier.arrive $0xFFFF;
	s2 =	simm.s32 @!p0 $0x1C02  }
0x4f: {  	[timem:s3], [sflag:s2] =	dma.local @!p0 [hbm:s0], s1  }
0x50: {  	s0 =	simm.s32 @!p0 $0x2  }
0x51: {  	_ =	swait.ge @!p0 [sflag:s0], s1  }
0x52: {  	s1 =	ssub.s32 @!p0 $0x0, s1;
	[sflag:s0] =	ssyncset.done @!p0 $0x0  }
0x53: {  	[sflag:s0] =	ssyncadd.s32 @!p0 s1  }
0x54: {  	[bflag:$0x3] =	sbarrier.arrive $0xFFFF  }
0x55: {  	_ =	shalt  }

</sc_bundles>
